<compile_context>
chip_gen: v7x
topology: tpu7x:2x2x1
jax: 0.10.2.dev20260603
libtpu: 0.0.44.dev20260713+nightly
codegen_flags: <defaults>
</compile_context>

<pallas_src>
import functools

import jax
import jax.numpy as jnp
from jax import lax
from jax.experimental import pallas as pl
from jax.experimental.pallas import tpu as pltpu
from jax.experimental.pallas import tpu_sc as plsc

_N, _C, _H, _W = 16, 3, 512, 512
_P = _H * _W
_TOPK = int(_P * 0.05)
_NB = 4096
_LANES = 16
_SUBSTRIDE = _NB + 16
_HIST_WORDS = _SUBSTRIDE * _LANES
_CH = 16384
_HALF = _P // 2


def _dark_body(img_ref, bmat_ref, out_ref):
    x = img_ref[0]
    m = jnp.minimum(jnp.minimum(x[0], x[1]), x[2])

    s15 = jnp.dot(m, bmat_ref[...], preferred_element_type=jnp.float32)

    zv = jnp.zeros((8, _W), jnp.float32)
    u = jnp.concatenate([zv, s15, zv], axis=0)
    q1 = u[:525] + u[1:526]
    q2 = q1[:521] + q1[2:523]
    q3 = q2[:513] + q2[4:517]
    dk = (q3[1:513] + q2[9:521] + q1[13:525] + u[15:527]) * (1.0 / 225.0)
    for p in range(4):
        out_ref[0, p] = dk[:, 128 * p:128 * (p + 1)]


@functools.cache
def _hist_call(n_imgs):
    mesh = plsc.VectorSubcoreMesh(
        core_axis_name="c", subcore_axis_name="s",
        num_cores=2, num_subcores=16)
    return pl.kernel(
        functools.partial(_hist_sc_body, n_imgs * _P // 32),
        out_type=jax.ShapeDtypeStruct((32 * _NB,), jnp.int32),
        mesh=mesh,
        compiler_params=pltpu.CompilerParams(needs_layout_passes=False),
        scratch_types=[
            pltpu.VMEM((_CH,), jnp.float32),
            pltpu.VMEM((_CH,), jnp.float32),
            pltpu.VMEM((_HIST_WORDS,), jnp.int32),
            pltpu.VMEM((_NB,), jnp.int32),
            pltpu.SemaphoreType.DMA,
            pltpu.SemaphoreType.DMA,
        ],
    )


def _hist_sc_body(px_per_tile, dark_hbm, out_hbm, buf_a, buf_b, hist, merged,
                  sem_a, sem_b):
    wid = lax.axis_index("s") * 2 + lax.axis_index("c")
    base = wid * px_per_tile

    zeros16 = jnp.zeros((_LANES,), jnp.int32)

    def zbody(j):
        hist[pl.ds(j * _LANES, _LANES)] = zeros16

    plsc.parallel_loop(0, _HIST_WORDS // _LANES, unroll=8)(zbody)

    lane_off = lax.broadcasted_iota(jnp.int32, (_LANES,), 0) * (_SUBSTRIDE + 1)
    ones16 = jnp.ones((_LANES,), jnp.int32)

    bufs = (buf_a, buf_b)
    sems = (sem_a, sem_b)
    nchunk = px_per_tile // _CH
    copies = [pltpu.async_copy(dark_hbm.at[pl.ds(base, _CH)],
                               buf_a, sem_a)]
    for ci in range(nchunk):
        if ci + 1 < nchunk:
            copies.append(pltpu.async_copy(
                dark_hbm.at[pl.ds(base + (ci + 1) * _CH, _CH)],
                bufs[(ci + 1) % 2], sems[(ci + 1) % 2]))
        copies[ci].wait()
        buf = bufs[ci % 2]

        def gbody(j, buf=buf):
            v = buf[pl.ds(j * _LANES, _LANES)]
            b = jnp.minimum((v * float(_NB)).astype(jnp.int32), _NB - 1)
            plsc.addupdate_scatter(hist, [b + lane_off], ones16)

        plsc.parallel_loop(0, _CH // _LANES, unroll=8)(gbody)

    def mbody(g):
        acc = jnp.zeros((_LANES,), jnp.int32)
        for lane in range(_LANES):
            acc = acc + hist[pl.ds(g * _LANES + lane * (_SUBSTRIDE + 1),
                                   _LANES)]
        merged[pl.ds(g * _LANES, _LANES)] = acc

    plsc.parallel_loop(0, _NB // _LANES, unroll=2)(mbody)

    pltpu.sync_copy(merged, out_hbm.at[pl.ds(wid * _NB, _NB)])


def _fused_body(w_ref, parts_ref, img_ref, dark_ref, out_ref):
    i = pl.program_id(0)
    x = parts_ref[0]
    h = x[0] + x[1]

    s = h
    sh = 1
    while sh < _NB:
        s = s + jnp.concatenate([s[sh:], jnp.zeros((sh,), jnp.int32)])
        sh *= 2
    c_above_bins = s - h
    crit = jnp.sum((c_above_bins >= _TOPK).astype(jnp.int32))

    bins = lax.broadcasted_iota(jnp.int32, (_NB,), 0)
    c_above = jnp.sum(jnp.where(bins > crit, h, 0)).astype(jnp.float32)
    c_bin = jnp.sum(jnp.where(bins == crit, h, 0)).astype(jnp.float32)
    frac = (float(_TOPK) - c_above) / jnp.maximum(c_bin, 1.0)
    frac = jnp.clip(frac, 0.0, 1.0)

    img0 = img_ref[0]
    w = w_ref[i]
    wgt, rcp = [], []
    for p in range(4):
        d = dark_ref[0, p]
        b = jnp.minimum((d * float(_NB)).astype(jnp.int32), _NB - 1)
        wgt.append(jnp.where(b > crit, 1.0,
                             jnp.where(b == crit, frac, 0.0)))
        rcp.append(1.0 / (jnp.maximum(1.0 - w * d, 0.1) + 0.001))
    for c in range(3):
        atm = sum(
            jnp.sum(wgt[p] * img0[c, :, 128 * p:128 * (p + 1)])
            for p in range(4)) * (1.0 / _TOPK)
        for p in range(4):
            ip = img0[c, :, 128 * p:128 * (p + 1)]
            out_ref[0, c, :, 128 * p:128 * (p + 1)] = jnp.clip(
                (ip - atm) * rcp[p] + atm, 0.0, 1.0)


def _dark_call(img, start, n):
    cols = lax.broadcasted_iota(jnp.int32, (_W, _W), 1)
    rows = lax.broadcasted_iota(jnp.int32, (_W, _W), 0)
    bmat = (jnp.abs(cols - rows) <= 7).astype(jnp.float32)
    return pl.pallas_call(
        _dark_body,
        grid=(n,),
        in_specs=[
            pl.BlockSpec((1, _C, _H, _W), lambda i: (i + start, 0, 0, 0)),
            pl.BlockSpec((_W, _W), lambda i: (0, 0)),
        ],
        out_specs=pl.BlockSpec((1, 4, _H, 128), lambda i: (i, 0, 0, 0)),
        out_shape=jax.ShapeDtypeStruct((n, 4, _H, 128), jnp.float32),
    )(img, bmat)


def _fused_call(w, parts, img, dark):
    return pl.pallas_call(
        _fused_body,
        grid=(_N,),
        in_specs=[
            pl.BlockSpec(memory_space=pltpu.SMEM),
            pl.BlockSpec((1, 2, _NB), lambda i: (i, 0, 0)),
            pl.BlockSpec((1, _C, _H, _W), lambda i: (i, 0, 0, 0)),
            pl.BlockSpec((1, 4, _H, 128), lambda i: (i, 0, 0, 0)),
        ],
        out_specs=pl.BlockSpec((1, _C, _H, _W), lambda i: (i, 0, 0, 0)),
        out_shape=jax.ShapeDtypeStruct((_N, _C, _H, _W), jnp.float32),
    )(w, parts, img, dark)


def kernel(img, w):
    dark = _dark_call(img, 0, _N)
    parts = _hist_call(_N)(dark.reshape(_N * _P))
    return _fused_call(w, parts.reshape(_N, 2, _NB), img, dark)

# --- scband reference (transcript-rebuilt; emitter-appended) ---
"""Pipeline reference for scband-dehazing-61641370632309 (READ-ONLY COPY).

The authoritative reference and input builder live on the scoring server;
editing this copy changes nothing except your own understanding.
"""

import jax, jax.numpy as jnp
import numpy as np
from jax import lax


def setup_inputs(seed: int = 0) -> dict:
    key = jax.random.key(seed)
    k1, k2 = jax.random.split(key)
    img = jax.random.uniform(k1, (16, 3, 512, 512), dtype=jnp.float32)
    w = jax.random.uniform(k2, (16,), dtype=jnp.float32)
    return {"img": img, "w": w}


def _dark_channel(img, kernel_size=15):
    pad = kernel_size // 2
    min_channel = jnp.min(img, axis=1, keepdims=True)
    summed = lax.reduce_window(
        min_channel,
        0.0,
        lax.add,
        (1, 1, kernel_size, kernel_size),
        (1, 1, 1, 1),
        ((0, 0), (0, 0), (pad, pad), (pad, pad)),
    )
    # torch F.avg_pool2d default count_include_pad=True -> divide by k*k everywhere
    return summed / float(kernel_size * kernel_size)


def _atmospheric_light(img, dark):
    N, C, H, W = img.shape
    num_pixels = H * W
    top_k = int(num_pixels * 0.05)
    flat_dark = dark.reshape(N, -1)
    _, top_idx = lax.top_k(flat_dark, top_k)  # [N, top_k]
    flat_img = img.reshape(N, C, -1)
    sel = jnp.take_along_axis(flat_img, top_idx[:, None, :], axis=2)  # [N, C, top_k]
    return sel.mean(axis=2)  # [N, C]


def reference(img, w):
    wv = w.reshape(-1, 1, 1, 1)
    dark = _dark_channel(img, 15)
    atm = _atmospheric_light(img, dark)  # [N, C]
    atm_b = atm[:, :, None, None]  # broadcast like expand_as
    transmission = 1.0 - wv * dark
    transmission = jnp.where(transmission > 0.1, transmission, jnp.asarray(0.1, img.dtype))
    x = (img - atm_b) / (transmission + 0.001) + atm_b
    x = jnp.clip(x, 0.0, 1.0)
    return x

if __name__ == "__main__":
    import jax
    _d = setup_inputs()
    print(jax.jit(kernel)(*tuple(_d.values())))

</pallas_src>

<mosaic_0001>
#map = affine_map<(d0, d1) -> (0)>
module attributes {stable_mosaic.version = 14 : i64} {
  func.func @_hist_sc_body(%arg0: i32, %arg1: i32, %arg2: memref<4194304xf32, #tpu.memory_space<hbm>>, %arg3: memref<131072xi32, #tpu.memory_space<hbm>>, %arg4: memref<16384xf32, #tpu.memory_space<vmem>>, %arg5: memref<16384xf32, #tpu.memory_space<vmem>>, %arg6: memref<65792xi32, #tpu.memory_space<vmem>>, %arg7: memref<4096xi32, #tpu.memory_space<vmem>>, %arg8: memref<!tpu.dma_semaphore, #tpu.memory_space<semaphore_mem>>, %arg9: memref<!tpu.dma_semaphore, #tpu.memory_space<semaphore_mem>>) attributes {dimension_semantics = [#tpu.dimension_semantics<core_parallel>, #tpu.dimension_semantics<subcore_parallel>], iteration_bounds = array<i64: 2, 16>, scalar_prefetch = 0 : i64, scratch_operands = 6 : i64, tpu.core_type = #tpu.core_type<sc_vector_subcore>, window_params = [{transform_indices = #map}, {transform_indices = #map}]} {
    %mul3A = arith.constant 2 : i32
    %mul3A_0 = arith.muli %arg1, %mul3A : i32
    %add3A = arith.addi %mul3A_0, %arg0 : i32
    %mul3A_1 = arith.constant 131072 : i32
    %mul3A_2 = arith.muli %add3A, %mul3A_1 : i32
    %broadcast_in_dim3A = arith.constant 0 : i32
    %broadcast_in_dim3A_3 = vector.broadcast %broadcast_in_dim3A : i32 to vector<16xi32>
    %parallel_loop3A = arith.constant 0 : i32
    %parallel_loop3A_4 = arith.constant 4112 : i32
    %parallel_loop3A_5 = arith.constant 1 : i32
    scf.for %parallel_loop3A_84 = %parallel_loop3A to %parallel_loop3A_4 step %parallel_loop3A_5  : i32 {
      %parallel_loop3A_85 = arith.constant 16 : i32
      %parallel_loop3A_86 = arith.muli %parallel_loop3A_84, %parallel_loop3A_85 : i32
      %parallel_loop3A_87 = arith.index_cast %parallel_loop3A_86 : i32 to index
      %parallel_loop3A_88 = tpu.vector_load %arg6[%parallel_loop3A_87] {strides = array<i32>} : memref<65792xi32, #tpu.memory_space<vmem>>, vector<16xi32>,
      tpu.vector_store %arg6[%parallel_loop3A_87], %broadcast_in_dim3A_3 {strides = array<i32>} : memref<65792xi32, #tpu.memory_space<vmem>>, vector<16xi32>,
    } {sc.loop_unroll_factor = 8 : i64, sc.parallel_access}
    %iota3A = tpu.iota {dimensions = array<i32: 0>} : vector<16xi32>
    %mul3A_6 = arith.constant 4113 : i32
    %mul3A_7 = vector.broadcast %mul3A_6 : i32 to vector<16xi32>
    %mul3A_8 = arith.muli %iota3A, %mul3A_7 : vector<16xi32>
    %broadcast_in_dim3A_9 = arith.constant 1 : i32
    %broadcast_in_dim3A_10 = vector.broadcast %broadcast_in_dim3A_9 : i32 to vector<16xi32>
    %dma_start3A = tpu.memref_slice %arg2[%mul3A_2] : memref<4194304xf32, #tpu.memory_space<hbm>> -> memref<16384xf32, #tpu.memory_space<hbm>>
    %dma_start3A_11 = tpu.memref_slice %arg2[%mul3A_2] : memref<4194304xf32, #tpu.memory_space<hbm>> -> memref<16384xf32, #tpu.memory_space<hbm>>
    tpu.enqueue_dma source(%dma_start3A_11 : memref<16384xf32, #tpu.memory_space<hbm>>) target(%arg4 : memref<16384xf32, #tpu.memory_space<vmem>>) target_semaphore(%arg8 : memref<!tpu.dma_semaphore, #tpu.memory_space<semaphore_mem>>)
    %add3A_12 = arith.constant 16384 : i32
    %add3A_13 = arith.addi %mul3A_2, %add3A_12 : i32
    %dma_start3A_14 = tpu.memref_slice %arg2[%add3A_13] : memref<4194304xf32, #tpu.memory_space<hbm>> -> memref<16384xf32, #tpu.memory_space<hbm>>
    %dma_start3A_15 = tpu.memref_slice %arg2[%add3A_13] : memref<4194304xf32, #tpu.memory_space<hbm>> -> memref<16384xf32, #tpu.memory_space<hbm>>
    tpu.enqueue_dma source(%dma_start3A_15 : memref<16384xf32, #tpu.memory_space<hbm>>) target(%arg5 : memref<16384xf32, #tpu.memory_space<vmem>>) target_semaphore(%arg9 : memref<!tpu.dma_semaphore, #tpu.memory_space<semaphore_mem>>)
    %dma_wait3A = tpu.memref_slice %arg2[%mul3A_2] : memref<4194304xf32, #tpu.memory_space<hbm>> -> memref<16384xf32, #tpu.memory_space<hbm>>
    %dma_wait3A_16 = tpu.memref_slice %arg2[%mul3A_2] : memref<4194304xf32, #tpu.memory_space<hbm>> -> memref<16384xf32, #tpu.memory_space<hbm>>
    tpu.wait_dma2 semaphore(%arg8 : memref<!tpu.dma_semaphore, #tpu.memory_space<semaphore_mem>>) src(%dma_wait3A_16 : memref<16384xf32, #tpu.memory_space<hbm>>) dst(%arg4 : memref<16384xf32, #tpu.memory_space<vmem>>)
    %parallel_loop3A_17 = arith.constant 0 : i32
    %parallel_loop3A_18 = arith.constant 1024 : i32
    %parallel_loop3A_19 = arith.constant 1 : i32
    scf.for %parallel_loop3A_84 = %parallel_loop3A_17 to %parallel_loop3A_18 step %parallel_loop3A_19  : i32 {
      %parallel_loop3A_85 = arith.constant 16 : i32
      %parallel_loop3A_86 = arith.muli %parallel_loop3A_84, %parallel_loop3A_85 : i32
      %parallel_loop3A_87 = arith.index_cast %parallel_loop3A_86 : i32 to index
      %parallel_loop3A_88 = tpu.vector_load %arg4[%parallel_loop3A_87] {strides = array<i32>} : memref<16384xf32, #tpu.memory_space<vmem>>, vector<16xf32>,
      %parallel_loop3A_89 = arith.constant 4.096000e+03 : f32
      %parallel_loop3A_90 = vector.broadcast %parallel_loop3A_89 : f32 to vector<16xf32>
      %parallel_loop3A_91 = arith.mulf %parallel_loop3A_88, %parallel_loop3A_90 : vector<16xf32>
      %parallel_loop3A_92 = arith.fptosi %parallel_loop3A_91 : vector<16xf32> to vector<16xi32>
      %parallel_loop3A_93 = arith.constant 4095 : i32
      %parallel_loop3A_94 = vector.broadcast %parallel_loop3A_93 : i32 to vector<16xi32>
      %parallel_loop3A_95 = arith.minsi %parallel_loop3A_92, %parallel_loop3A_94 : vector<16xi32>
      %parallel_loop3A_96 = arith.addi %parallel_loop3A_95, %mul3A_8 : vector<16xi32>
      tpu.vector_store_idx %arg6[%parallel_loop3A_96], %broadcast_in_dim3A_10 {add = true} : memref<65792xi32, #tpu.memory_space<vmem>>[vector<16xi32>], vector<16xi32>,
    } {sc.loop_unroll_factor = 8 : i64, sc.parallel_access}
    %add3A_20 = arith.constant 32768 : i32
    %add3A_21 = arith.addi %mul3A_2, %add3A_20 : i32
    %dma_start3A_22 = tpu.memref_slice %arg2[%add3A_21] : memref<4194304xf32, #tpu.memory_space<hbm>> -> memref<16384xf32, #tpu.memory_space<hbm>>
    %dma_start3A_23 = tpu.memref_slice %arg2[%add3A_21] : memref<4194304xf32, #tpu.memory_space<hbm>> -> memref<16384xf32, #tpu.memory_space<hbm>>
    tpu.enqueue_dma source(%dma_start3A_23 : memref<16384xf32, #tpu.memory_space<hbm>>) target(%arg4 : memref<16384xf32, #tpu.memory_space<vmem>>) target_semaphore(%arg8 : memref<!tpu.dma_semaphore, #tpu.memory_space<semaphore_mem>>)
    %dma_wait3A_24 = tpu.memref_slice %arg2[%add3A_13] : memref<4194304xf32, #tpu.memory_space<hbm>> -> memref<16384xf32, #tpu.memory_space<hbm>>
    %dma_wait3A_25 = tpu.memref_slice %arg2[%add3A_13] : memref<4194304xf32, #tpu.memory_space<hbm>> -> memref<16384xf32, #tpu.memory_space<hbm>>
    tpu.wait_dma2 semaphore(%arg9 : memref<!tpu.dma_semaphore, #tpu.memory_space<semaphore_mem>>) src(%dma_wait3A_25 : memref<16384xf32, #tpu.memory_space<hbm>>) dst(%arg5 : memref<16384xf32, #tpu.memory_space<vmem>>)
    %parallel_loop3A_26 = arith.constant 0 : i32
    %parallel_loop3A_27 = arith.constant 1024 : i32
    %parallel_loop3A_28 = arith.constant 1 : i32
    scf.for %parallel_loop3A_84 = %parallel_loop3A_26 to %parallel_loop3A_27 step %parallel_loop3A_28  : i32 {
      %parallel_loop3A_85 = arith.constant 16 : i32
      %parallel_loop3A_86 = arith.muli %parallel_loop3A_84, %parallel_loop3A_85 : i32
      %parallel_loop3A_87 = arith.index_cast %parallel_loop3A_86 : i32 to index
      %parallel_loop3A_88 = tpu.vector_load %arg5[%parallel_loop3A_87] {strides = array<i32>} : memref<16384xf32, #tpu.memory_space<vmem>>, vector<16xf32>,
      %parallel_loop3A_89 = arith.constant 4.096000e+03 : f32
      %parallel_loop3A_90 = vector.broadcast %parallel_loop3A_89 : f32 to vector<16xf32>
      %parallel_loop3A_91 = arith.mulf %parallel_loop3A_88, %parallel_loop3A_90 : vector<16xf32>
      %parallel_loop3A_92 = arith.fptosi %parallel_loop3A_91 : vector<16xf32> to vector<16xi32>
      %parallel_loop3A_93 = arith.constant 4095 : i32
      %parallel_loop3A_94 = vector.broadcast %parallel_loop3A_93 : i32 to vector<16xi32>
      %parallel_loop3A_95 = arith.minsi %parallel_loop3A_92, %parallel_loop3A_94 : vector<16xi32>
      %parallel_loop3A_96 = arith.addi %parallel_loop3A_95, %mul3A_8 : vector<16xi32>
      tpu.vector_store_idx %arg6[%parallel_loop3A_96], %broadcast_in_dim3A_10 {add = true} : memref<65792xi32, #tpu.memory_space<vmem>>[vector<16xi32>], vector<16xi32>,
    } {sc.loop_unroll_factor = 8 : i64, sc.parallel_access}
    %add3A_29 = arith.constant 49152 : i32
    %add3A_30 = arith.addi %mul3A_2, %add3A_29 : i32
    %dma_start3A_31 = tpu.memref_slice %arg2[%add3A_30] : memref<4194304xf32, #tpu.memory_space<hbm>> -> memref<16384xf32, #tpu.memory_space<hbm>>
    %dma_start3A_32 = tpu.memref_slice %arg2[%add3A_30] : memref<4194304xf32, #tpu.memory_space<hbm>> -> memref<16384xf32, #tpu.memory_space<hbm>>
    tpu.enqueue_dma source(%dma_start3A_32 : memref<16384xf32, #tpu.memory_space<hbm>>) target(%arg5 : memref<16384xf32, #tpu.memory_space<vmem>>) target_semaphore(%arg9 : memref<!tpu.dma_semaphore, #tpu.memory_space<semaphore_mem>>)
    %dma_wait3A_33 = tpu.memref_slice %arg2[%add3A_21] : memref<4194304xf32, #tpu.memory_space<hbm>> -> memref<16384xf32, #tpu.memory_space<hbm>>
    %dma_wait3A_34 = tpu.memref_slice %arg2[%add3A_21] : memref<4194304xf32, #tpu.memory_space<hbm>> -> memref<16384xf32, #tpu.memory_space<hbm>>
    tpu.wait_dma2 semaphore(%arg8 : memref<!tpu.dma_semaphore, #tpu.memory_space<semaphore_mem>>) src(%dma_wait3A_34 : memref<16384xf32, #tpu.memory_space<hbm>>) dst(%arg4 : memref<16384xf32, #tpu.memory_space<vmem>>)
    %parallel_loop3A_35 = arith.constant 0 : i32
    %parallel_loop3A_36 = arith.constant 1024 : i32
    %parallel_loop3A_37 = arith.constant 1 : i32
    scf.for %parallel_loop3A_84 = %parallel_loop3A_35 to %parallel_loop3A_36 step %parallel_loop3A_37  : i32 {
      %parallel_loop3A_85 = arith.constant 16 : i32
      %parallel_loop3A_86 = arith.muli %parallel_loop3A_84, %parallel_loop3A_85 : i32
      %parallel_loop3A_87 = arith.index_cast %parallel_loop3A_86 : i32 to index
      %parallel_loop3A_88 = tpu.vector_load %arg4[%parallel_loop3A_87] {strides = array<i32>} : memref<16384xf32, #tpu.memory_space<vmem>>, vector<16xf32>,
      %parallel_loop3A_89 = arith.constant 4.096000e+03 : f32
      %parallel_loop3A_90 = vector.broadcast %parallel_loop3A_89 : f32 to vector<16xf32>
      %parallel_loop3A_91 = arith.mulf %parallel_loop3A_88, %parallel_loop3A_90 : vector<16xf32>
      %parallel_loop3A_92 = arith.fptosi %parallel_loop3A_91 : vector<16xf32> to vector<16xi32>
      %parallel_loop3A_93 = arith.constant 4095 : i32
      %parallel_loop3A_94 = vector.broadcast %parallel_loop3A_93 : i32 to vector<16xi32>
      %parallel_loop3A_95 = arith.minsi %parallel_loop3A_92, %parallel_loop3A_94 : vector<16xi32>
      %parallel_loop3A_96 = arith.addi %parallel_loop3A_95, %mul3A_8 : vector<16xi32>
      tpu.vector_store_idx %arg6[%parallel_loop3A_96], %broadcast_in_dim3A_10 {add = true} : memref<65792xi32, #tpu.memory_space<vmem>>[vector<16xi32>], vector<16xi32>,
    } {sc.loop_unroll_factor = 8 : i64, sc.parallel_access}
    %add3A_38 = arith.constant 65536 : i32
    %add3A_39 = arith.addi %mul3A_2, %add3A_38 : i32
    %dma_start3A_40 = tpu.memref_slice %arg2[%add3A_39] : memref<4194304xf32, #tpu.memory_space<hbm>> -> memref<16384xf32, #tpu.memory_space<hbm>>
    %dma_start3A_41 = tpu.memref_slice %arg2[%add3A_39] : memref<4194304xf32, #tpu.memory_space<hbm>> -> memref<16384xf32, #tpu.memory_space<hbm>>
    tpu.enqueue_dma source(%dma_start3A_41 : memref<16384xf32, #tpu.memory_space<hbm>>) target(%arg4 : memref<16384xf32, #tpu.memory_space<vmem>>) target_semaphore(%arg8 : memref<!tpu.dma_semaphore, #tpu.memory_space<semaphore_mem>>)
    %dma_wait3A_42 = tpu.memref_slice %arg2[%add3A_30] : memref<4194304xf32, #tpu.memory_space<hbm>> -> memref<16384xf32, #tpu.memory_space<hbm>>
    %dma_wait3A_43 = tpu.memref_slice %arg2[%add3A_30] : memref<4194304xf32, #tpu.memory_space<hbm>> -> memref<16384xf32, #tpu.memory_space<hbm>>
    tpu.wait_dma2 semaphore(%arg9 : memref<!tpu.dma_semaphore, #tpu.memory_space<semaphore_mem>>) src(%dma_wait3A_43 : memref<16384xf32, #tpu.memory_space<hbm>>) dst(%arg5 : memref<16384xf32, #tpu.memory_space<vmem>>)
    %parallel_loop3A_44 = arith.constant 0 : i32
    %parallel_loop3A_45 = arith.constant 1024 : i32
    %parallel_loop3A_46 = arith.constant 1 : i32
    scf.for %parallel_loop3A_84 = %parallel_loop3A_44 to %parallel_loop3A_45 step %parallel_loop3A_46  : i32 {
      %parallel_loop3A_85 = arith.constant 16 : i32
      %parallel_loop3A_86 = arith.muli %parallel_loop3A_84, %parallel_loop3A_85 : i32
      %parallel_loop3A_87 = arith.index_cast %parallel_loop3A_86 : i32 to index
      %parallel_loop3A_88 = tpu.vector_load %arg5[%parallel_loop3A_87] {strides = array<i32>} : memref<16384xf32, #tpu.memory_space<vmem>>, vector<16xf32>,
      %parallel_loop3A_89 = arith.constant 4.096000e+03 : f32
      %parallel_loop3A_90 = vector.broadcast %parallel_loop3A_89 : f32 to vector<16xf32>
      %parallel_loop3A_91 = arith.mulf %parallel_loop3A_88, %parallel_loop3A_90 : vector<16xf32>
      %parallel_loop3A_92 = arith.fptosi %parallel_loop3A_91 : vector<16xf32> to vector<16xi32>
      %parallel_loop3A_93 = arith.constant 4095 : i32
      %parallel_loop3A_94 = vector.broadcast %parallel_loop3A_93 : i32 to vector<16xi32>
      %parallel_loop3A_95 = arith.minsi %parallel_loop3A_92, %parallel_loop3A_94 : vector<16xi32>
      %parallel_loop3A_96 = arith.addi %parallel_loop3A_95, %mul3A_8 : vector<16xi32>
      tpu.vector_store_idx %arg6[%parallel_loop3A_96], %broadcast_in_dim3A_10 {add = true} : memref<65792xi32, #tpu.memory_space<vmem>>[vector<16xi32>], vector<16xi32>,
    } {sc.loop_unroll_factor = 8 : i64, sc.parallel_access}
    %add3A_47 = arith.constant 81920 : i32
    %add3A_48 = arith.addi %mul3A_2, %add3A_47 : i32
    %dma_start3A_49 = tpu.memref_slice %arg2[%add3A_48] : memref<4194304xf32, #tpu.memory_space<hbm>> -> memref<16384xf32, #tpu.memory_space<hbm>>
    %dma_start3A_50 = tpu.memref_slice %arg2[%add3A_48] : memref<4194304xf32, #tpu.memory_space<hbm>> -> memref<16384xf32, #tpu.memory_space<hbm>>
    tpu.enqueue_dma source(%dma_start3A_50 : memref<16384xf32, #tpu.memory_space<hbm>>) target(%arg5 : memref<16384xf32, #tpu.memory_space<vmem>>) target_semaphore(%arg9 : memref<!tpu.dma_semaphore, #tpu.memory_space<semaphore_mem>>)
    %dma_wait3A_51 = tpu.memref_slice %arg2[%add3A_39] : memref<4194304xf32, #tpu.memory_space<hbm>> -> memref<16384xf32, #tpu.memory_space<hbm>>
    %dma_wait3A_52 = tpu.memref_slice %arg2[%add3A_39] : memref<4194304xf32, #tpu.memory_space<hbm>> -> memref<16384xf32, #tpu.memory_space<hbm>>
    tpu.wait_dma2 semaphore(%arg8 : memref<!tpu.dma_semaphore, #tpu.memory_space<semaphore_mem>>) src(%dma_wait3A_52 : memref<16384xf32, #tpu.memory_space<hbm>>) dst(%arg4 : memref<16384xf32, #tpu.memory_space<vmem>>)
    %parallel_loop3A_53 = arith.constant 0 : i32
    %parallel_loop3A_54 = arith.constant 1024 : i32
    %parallel_loop3A_55 = arith.constant 1 : i32
    scf.for %parallel_loop3A_84 = %parallel_loop3A_53 to %parallel_loop3A_54 step %parallel_loop3A_55  : i32 {
      %parallel_loop3A_85 = arith.constant 16 : i32
      %parallel_loop3A_86 = arith.muli %parallel_loop3A_84, %parallel_loop3A_85 : i32
      %parallel_loop3A_87 = arith.index_cast %parallel_loop3A_86 : i32 to index
      %parallel_loop3A_88 = tpu.vector_load %arg4[%parallel_loop3A_87] {strides = array<i32>} : memref<16384xf32, #tpu.memory_space<vmem>>, vector<16xf32>,
      %parallel_loop3A_89 = arith.constant 4.096000e+03 : f32
      %parallel_loop3A_90 = vector.broadcast %parallel_loop3A_89 : f32 to vector<16xf32>
      %parallel_loop3A_91 = arith.mulf %parallel_loop3A_88, %parallel_loop3A_90 : vector<16xf32>
      %parallel_loop3A_92 = arith.fptosi %parallel_loop3A_91 : vector<16xf32> to vector<16xi32>
      %parallel_loop3A_93 = arith.constant 4095 : i32
      %parallel_loop3A_94 = vector.broadcast %parallel_loop3A_93 : i32 to vector<16xi32>
      %parallel_loop3A_95 = arith.minsi %parallel_loop3A_92, %parallel_loop3A_94 : vector<16xi32>
      %parallel_loop3A_96 = arith.addi %parallel_loop3A_95, %mul3A_8 : vector<16xi32>
      tpu.vector_store_idx %arg6[%parallel_loop3A_96], %broadcast_in_dim3A_10 {add = true} : memref<65792xi32, #tpu.memory_space<vmem>>[vector<16xi32>], vector<16xi32>,
    } {sc.loop_unroll_factor = 8 : i64, sc.parallel_access}
    %add3A_56 = arith.constant 98304 : i32
    %add3A_57 = arith.addi %mul3A_2, %add3A_56 : i32
    %dma_start3A_58 = tpu.memref_slice %arg2[%add3A_57] : memref<4194304xf32, #tpu.memory_space<hbm>> -> memref<16384xf32, #tpu.memory_space<hbm>>
    %dma_start3A_59 = tpu.memref_slice %arg2[%add3A_57] : memref<4194304xf32, #tpu.memory_space<hbm>> -> memref<16384xf32, #tpu.memory_space<hbm>>
    tpu.enqueue_dma source(%dma_start3A_59 : memref<16384xf32, #tpu.memory_space<hbm>>) target(%arg4 : memref<16384xf32, #tpu.memory_space<vmem>>) target_semaphore(%arg8 : memref<!tpu.dma_semaphore, #tpu.memory_space<semaphore_mem>>)
    %dma_wait3A_60 = tpu.memref_slice %arg2[%add3A_48] : memref<4194304xf32, #tpu.memory_space<hbm>> -> memref<16384xf32, #tpu.memory_space<hbm>>
    %dma_wait3A_61 = tpu.memref_slice %arg2[%add3A_48] : memref<4194304xf32, #tpu.memory_space<hbm>> -> memref<16384xf32, #tpu.memory_space<hbm>>
    tpu.wait_dma2 semaphore(%arg9 : memref<!tpu.dma_semaphore, #tpu.memory_space<semaphore_mem>>) src(%dma_wait3A_61 : memref<16384xf32, #tpu.memory_space<hbm>>) dst(%arg5 : memref<16384xf32, #tpu.memory_space<vmem>>)
    %parallel_loop3A_62 = arith.constant 0 : i32
    %parallel_loop3A_63 = arith.constant 1024 : i32
    %parallel_loop3A_64 = arith.constant 1 : i32
    scf.for %parallel_loop3A_84 = %parallel_loop3A_62 to %parallel_loop3A_63 step %parallel_loop3A_64  : i32 {
      %parallel_loop3A_85 = arith.constant 16 : i32
      %parallel_loop3A_86 = arith.muli %parallel_loop3A_84, %parallel_loop3A_85 : i32
      %parallel_loop3A_87 = arith.index_cast %parallel_loop3A_86 : i32 to index
      %parallel_loop3A_88 = tpu.vector_load %arg5[%parallel_loop3A_87] {strides = array<i32>} : memref<16384xf32, #tpu.memory_space<vmem>>, vector<16xf32>,
      %parallel_loop3A_89 = arith.constant 4.096000e+03 : f32
      %parallel_loop3A_90 = vector.broadcast %parallel_loop3A_89 : f32 to vector<16xf32>
      %parallel_loop3A_91 = arith.mulf %parallel_loop3A_88, %parallel_loop3A_90 : vector<16xf32>
      %parallel_loop3A_92 = arith.fptosi %parallel_loop3A_91 : vector<16xf32> to vector<16xi32>
      %parallel_loop3A_93 = arith.constant 4095 : i32
      %parallel_loop3A_94 = vector.broadcast %parallel_loop3A_93 : i32 to vector<16xi32>
      %parallel_loop3A_95 = arith.minsi %parallel_loop3A_92, %parallel_loop3A_94 : vector<16xi32>
      %parallel_loop3A_96 = arith.addi %parallel_loop3A_95, %mul3A_8 : vector<16xi32>
      tpu.vector_store_idx %arg6[%parallel_loop3A_96], %broadcast_in_dim3A_10 {add = true} : memref<65792xi32, #tpu.memory_space<vmem>>[vector<16xi32>], vector<16xi32>,
    } {sc.loop_unroll_factor = 8 : i64, sc.parallel_access}
    %add3A_65 = arith.constant 114688 : i32
    %add3A_66 = arith.addi %mul3A_2, %add3A_65 : i32
    %dma_start3A_67 = tpu.memref_slice %arg2[%add3A_66] : memref<4194304xf32, #tpu.memory_space<hbm>> -> memref<16384xf32, #tpu.memory_space<hbm>>
    %dma_start3A_68 = tpu.memref_slice %arg2[%add3A_66] : memref<4194304xf32, #tpu.memory_space<hbm>> -> memref<16384xf32, #tpu.memory_space<hbm>>
    tpu.enqueue_dma source(%dma_start3A_68 : memref<16384xf32, #tpu.memory_space<hbm>>) target(%arg5 : memref<16384xf32, #tpu.memory_space<vmem>>) target_semaphore(%arg9 : memref<!tpu.dma_semaphore, #tpu.memory_space<semaphore_mem>>)
    %dma_wait3A_69 = tpu.memref_slice %arg2[%add3A_57] : memref<4194304xf32, #tpu.memory_space<hbm>> -> memref<16384xf32, #tpu.memory_space<hbm>>
    %dma_wait3A_70 = tpu.memref_slice %arg2[%add3A_57] : memref<4194304xf32, #tpu.memory_space<hbm>> -> memref<16384xf32, #tpu.memory_space<hbm>>
    tpu.wait_dma2 semaphore(%arg8 : memref<!tpu.dma_semaphore, #tpu.memory_space<semaphore_mem>>) src(%dma_wait3A_70 : memref<16384xf32, #tpu.memory_space<hbm>>) dst(%arg4 : memref<16384xf32, #tpu.memory_space<vmem>>)
    %parallel_loop3A_71 = arith.constant 0 : i32
    %parallel_loop3A_72 = arith.constant 1024 : i32
    %parallel_loop3A_73 = arith.constant 1 : i32
    scf.for %parallel_loop3A_84 = %parallel_loop3A_71 to %parallel_loop3A_72 step %parallel_loop3A_73  : i32 {
      %parallel_loop3A_85 = arith.constant 16 : i32
      %parallel_loop3A_86 = arith.muli %parallel_loop3A_84, %parallel_loop3A_85 : i32
      %parallel_loop3A_87 = arith.index_cast %parallel_loop3A_86 : i32 to index
      %parallel_loop3A_88 = tpu.vector_load %arg4[%parallel_loop3A_87] {strides = array<i32>} : memref<16384xf32, #tpu.memory_space<vmem>>, vector<16xf32>,
      %parallel_loop3A_89 = arith.constant 4.096000e+03 : f32
      %parallel_loop3A_90 = vector.broadcast %parallel_loop3A_89 : f32 to vector<16xf32>
      %parallel_loop3A_91 = arith.mulf %parallel_loop3A_88, %parallel_loop3A_90 : vector<16xf32>
      %parallel_loop3A_92 = arith.fptosi %parallel_loop3A_91 : vector<16xf32> to vector<16xi32>
      %parallel_loop3A_93 = arith.constant 4095 : i32
      %parallel_loop3A_94 = vector.broadcast %parallel_loop3A_93 : i32 to vector<16xi32>
      %parallel_loop3A_95 = arith.minsi %parallel_loop3A_92, %parallel_loop3A_94 : vector<16xi32>
      %parallel_loop3A_96 = arith.addi %parallel_loop3A_95, %mul3A_8 : vector<16xi32>
      tpu.vector_store_idx %arg6[%parallel_loop3A_96], %broadcast_in_dim3A_10 {add = true} : memref<65792xi32, #tpu.memory_space<vmem>>[vector<16xi32>], vector<16xi32>,
    } {sc.loop_unroll_factor = 8 : i64, sc.parallel_access}
    %dma_wait3A_74 = tpu.memref_slice %arg2[%add3A_66] : memref<4194304xf32, #tpu.memory_space<hbm>> -> memref<16384xf32, #tpu.memory_space<hbm>>
    %dma_wait3A_75 = tpu.memref_slice %arg2[%add3A_66] : memref<4194304xf32, #tpu.memory_space<hbm>> -> memref<16384xf32, #tpu.memory_space<hbm>>
    tpu.wait_dma2 semaphore(%arg9 : memref<!tpu.dma_semaphore, #tpu.memory_space<semaphore_mem>>) src(%dma_wait3A_75 : memref<16384xf32, #tpu.memory_space<hbm>>) dst(%arg5 : memref<16384xf32, #tpu.memory_space<vmem>>)
    %parallel_loop3A_76 = arith.constant 0 : i32
    %parallel_loop3A_77 = arith.constant 1024 : i32
    %parallel_loop3A_78 = arith.constant 1 : i32
    scf.for %parallel_loop3A_84 = %parallel_loop3A_76 to %parallel_loop3A_77 step %parallel_loop3A_78  : i32 {
      %parallel_loop3A_85 = arith.constant 16 : i32
      %parallel_loop3A_86 = arith.muli %parallel_loop3A_84, %parallel_loop3A_85 : i32
      %parallel_loop3A_87 = arith.index_cast %parallel_loop3A_86 : i32 to index
      %parallel_loop3A_88 = tpu.vector_load %arg5[%parallel_loop3A_87] {strides = array<i32>} : memref<16384xf32, #tpu.memory_space<vmem>>, vector<16xf32>,
      %parallel_loop3A_89 = arith.constant 4.096000e+03 : f32
      %parallel_loop3A_90 = vector.broadcast %parallel_loop3A_89 : f32 to vector<16xf32>
      %parallel_loop3A_91 = arith.mulf %parallel_loop3A_88, %parallel_loop3A_90 : vector<16xf32>
      %parallel_loop3A_92 = arith.fptosi %parallel_loop3A_91 : vector<16xf32> to vector<16xi32>
      %parallel_loop3A_93 = arith.constant 4095 : i32
      %parallel_loop3A_94 = vector.broadcast %parallel_loop3A_93 : i32 to vector<16xi32>
      %parallel_loop3A_95 = arith.minsi %parallel_loop3A_92, %parallel_loop3A_94 : vector<16xi32>
      %parallel_loop3A_96 = arith.addi %parallel_loop3A_95, %mul3A_8 : vector<16xi32>
      tpu.vector_store_idx %arg6[%parallel_loop3A_96], %broadcast_in_dim3A_10 {add = true} : memref<65792xi32, #tpu.memory_space<vmem>>[vector<16xi32>], vector<16xi32>,
    } {sc.loop_unroll_factor = 8 : i64, sc.parallel_access}
    %parallel_loop3A_79 = arith.constant 0 : i32
    %parallel_loop3A_80 = arith.constant 256 : i32
    %parallel_loop3A_81 = arith.constant 1 : i32
    scf.for %parallel_loop3A_84 = %parallel_loop3A_79 to %parallel_loop3A_80 step %parallel_loop3A_81  : i32 {
      %parallel_loop3A_85 = arith.constant 0 : i32
      %parallel_loop3A_86 = vector.broadcast %parallel_loop3A_85 : i32 to vector<16xi32>
      %parallel_loop3A_87 = arith.constant 16 : i32
      %parallel_loop3A_88 = arith.muli %parallel_loop3A_84, %parallel_loop3A_87 : i32
      %parallel_loop3A_89 = arith.constant 0 : i32
      %parallel_loop3A_90 = arith.addi %parallel_loop3A_88, %parallel_loop3A_89 : i32
      %parallel_loop3A_91 = arith.index_cast %parallel_loop3A_90 : i32 to index
      %parallel_loop3A_92 = tpu.vector_load %arg6[%parallel_loop3A_91] {strides = array<i32>} : memref<65792xi32, #tpu.memory_space<vmem>>, vector<16xi32>,
      %parallel_loop3A_93 = arith.addi %parallel_loop3A_86, %parallel_loop3A_92 : vector<16xi32>
      %parallel_loop3A_94 = arith.constant 16 : i32
      %parallel_loop3A_95 = arith.muli %parallel_loop3A_84, %parallel_loop3A_94 : i32
      %parallel_loop3A_96 = arith.constant 4113 : i32
      %parallel_loop3A_97 = arith.addi %parallel_loop3A_95, %parallel_loop3A_96 : i32
      %parallel_loop3A_98 = arith.index_cast %parallel_loop3A_97 : i32 to index
      %parallel_loop3A_99 = tpu.vector_load %arg6[%parallel_loop3A_98] {strides = array<i32>} : memref<65792xi32, #tpu.memory_space<vmem>>, vector<16xi32>,
      %parallel_loop3A_100 = arith.addi %parallel_loop3A_93, %parallel_loop3A_99 : vector<16xi32>
      %parallel_loop3A_101 = arith.constant 16 : i32
      %parallel_loop3A_102 = arith.muli %parallel_loop3A_84, %parallel_loop3A_101 : i32
      %parallel_loop3A_103 = arith.constant 8226 : i32
      %parallel_loop3A_104 = arith.addi %parallel_loop3A_102, %parallel_loop3A_103 : i32
      %parallel_loop3A_105 = arith.index_cast %parallel_loop3A_104 : i32 to index
      %parallel_loop3A_106 = tpu.vector_load %arg6[%parallel_loop3A_105] {strides = array<i32>} : memref<65792xi32, #tpu.memory_space<vmem>>, vector<16xi32>,
      %parallel_loop3A_107 = arith.addi %parallel_loop3A_100, %parallel_loop3A_106 : vector<16xi32>
      %parallel_loop3A_108 = arith.constant 16 : i32
      %parallel_loop3A_109 = arith.muli %parallel_loop3A_84, %parallel_loop3A_108 : i32
      %parallel_loop3A_110 = arith.constant 12339 : i32
      %parallel_loop3A_111 = arith.addi %parallel_loop3A_109, %parallel_loop3A_110 : i32
      %parallel_loop3A_112 = arith.index_cast %parallel_loop3A_111 : i32 to index
      %parallel_loop3A_113 = tpu.vector_load %arg6[%parallel_loop3A_112] {strides = array<i32>} : memref<65792xi32, #tpu.memory_space<vmem>>, vector<16xi32>,
      %parallel_loop3A_114 = arith.addi %parallel_loop3A_107, %parallel_loop3A_113 : vector<16xi32>
      %parallel_loop3A_115 = arith.constant 16 : i32
      %parallel_loop3A_116 = arith.muli %parallel_loop3A_84, %parallel_loop3A_115 : i32
      %parallel_loop3A_117 = arith.constant 16452 : i32
      %parallel_loop3A_118 = arith.addi %parallel_loop3A_116, %parallel_loop3A_117 : i32
      %parallel_loop3A_119 = arith.index_cast %parallel_loop3A_118 : i32 to index
      %parallel_loop3A_120 = tpu.vector_load %arg6[%parallel_loop3A_119] {strides = array<i32>} : memref<65792xi32, #tpu.memory_space<vmem>>, vector<16xi32>,
      %parallel_loop3A_121 = arith.addi %parallel_loop3A_114, %parallel_loop3A_120 : vector<16xi32>
      %parallel_loop3A_122 = arith.constant 16 : i32
      %parallel_loop3A_123 = arith.muli %parallel_loop3A_84, %parallel_loop3A_122 : i32
      %parallel_loop3A_124 = arith.constant 20565 : i32
      %parallel_loop3A_125 = arith.addi %parallel_loop3A_123, %parallel_loop3A_124 : i32
      %parallel_loop3A_126 = arith.index_cast %parallel_loop3A_125 : i32 to index
      %parallel_loop3A_127 = tpu.vector_load %arg6[%parallel_loop3A_126] {strides = array<i32>} : memref<65792xi32, #tpu.memory_space<vmem>>, vector<16xi32>,
      %parallel_loop3A_128 = arith.addi %parallel_loop3A_121, %parallel_loop3A_127 : vector<16xi32>
      %parallel_loop3A_129 = arith.constant 16 : i32
      %parallel_loop3A_130 = arith.muli %parallel_loop3A_84, %parallel_loop3A_129 : i32
      %parallel_loop3A_131 = arith.constant 24678 : i32
      %parallel_loop3A_132 = arith.addi %parallel_loop3A_130, %parallel_loop3A_131 : i32
      %parallel_loop3A_133 = arith.index_cast %parallel_loop3A_132 : i32 to index
      %parallel_loop3A_134 = tpu.vector_load %arg6[%parallel_loop3A_133] {strides = array<i32>} : memref<65792xi32, #tpu.memory_space<vmem>>, vector<16xi32>,
      %parallel_loop3A_135 = arith.addi %parallel_loop3A_128, %parallel_loop3A_134 : vector<16xi32>
      %parallel_loop3A_136 = arith.constant 16 : i32
      %parallel_loop3A_137 = arith.muli %parallel_loop3A_84, %parallel_loop3A_136 : i32
      %parallel_loop3A_138 = arith.constant 28791 : i32
      %parallel_loop3A_139 = arith.addi %parallel_loop3A_137, %parallel_loop3A_138 : i32
      %parallel_loop3A_140 = arith.index_cast %parallel_loop3A_139 : i32 to index
      %parallel_loop3A_141 = tpu.vector_load %arg6[%parallel_loop3A_140] {strides = array<i32>} : memref<65792xi32, #tpu.memory_space<vmem>>, vector<16xi32>,
      %parallel_loop3A_142 = arith.addi %parallel_loop3A_135, %parallel_loop3A_141 : vector<16xi32>
      %parallel_loop3A_143 = arith.constant 16 : i32
      %parallel_loop3A_144 = arith.muli %parallel_loop3A_84, %parallel_loop3A_143 : i32
      %parallel_loop3A_145 = arith.constant 32904 : i32
      %parallel_loop3A_146 = arith.addi %parallel_loop3A_144, %parallel_loop3A_145 : i32
      %parallel_loop3A_147 = arith.index_cast %parallel_loop3A_146 : i32 to index
      %parallel_loop3A_148 = tpu.vector_load %arg6[%parallel_loop3A_147] {strides = array<i32>} : memref<65792xi32, #tpu.memory_space<vmem>>, vector<16xi32>,
      %parallel_loop3A_149 = arith.addi %parallel_loop3A_142, %parallel_loop3A_148 : vector<16xi32>
      %parallel_loop3A_150 = arith.constant 16 : i32
      %parallel_loop3A_151 = arith.muli %parallel_loop3A_84, %parallel_loop3A_150 : i32
      %parallel_loop3A_152 = arith.constant 37017 : i32
      %parallel_loop3A_153 = arith.addi %parallel_loop3A_151, %parallel_loop3A_152 : i32
      %parallel_loop3A_154 = arith.index_cast %parallel_loop3A_153 : i32 to index
      %parallel_loop3A_155 = tpu.vector_load %arg6[%parallel_loop3A_154] {strides = array<i32>} : memref<65792xi32, #tpu.memory_space<vmem>>, vector<16xi32>,
      %parallel_loop3A_156 = arith.addi %parallel_loop3A_149, %parallel_loop3A_155 : vector<16xi32>
      %parallel_loop3A_157 = arith.constant 16 : i32
      %parallel_loop3A_158 = arith.muli %parallel_loop3A_84, %parallel_loop3A_157 : i32
      %parallel_loop3A_159 = arith.constant 41130 : i32
      %parallel_loop3A_160 = arith.addi %parallel_loop3A_158, %parallel_loop3A_159 : i32
      %parallel_loop3A_161 = arith.index_cast %parallel_loop3A_160 : i32 to index
      %parallel_loop3A_162 = tpu.vector_load %arg6[%parallel_loop3A_161] {strides = array<i32>} : memref<65792xi32, #tpu.memory_space<vmem>>, vector<16xi32>,
      %parallel_loop3A_163 = arith.addi %parallel_loop3A_156, %parallel_loop3A_162 : vector<16xi32>
      %parallel_loop3A_164 = arith.constant 16 : i32
      %parallel_loop3A_165 = arith.muli %parallel_loop3A_84, %parallel_loop3A_164 : i32
      %parallel_loop3A_166 = arith.constant 45243 : i32
      %parallel_loop3A_167 = arith.addi %parallel_loop3A_165, %parallel_loop3A_166 : i32
      %parallel_loop3A_168 = arith.index_cast %parallel_loop3A_167 : i32 to index
      %parallel_loop3A_169 = tpu.vector_load %arg6[%parallel_loop3A_168] {strides = array<i32>} : memref<65792xi32, #tpu.memory_space<vmem>>, vector<16xi32>,
      %parallel_loop3A_170 = arith.addi %parallel_loop3A_163, %parallel_loop3A_169 : vector<16xi32>
      %parallel_loop3A_171 = arith.constant 16 : i32
      %parallel_loop3A_172 = arith.muli %parallel_loop3A_84, %parallel_loop3A_171 : i32
      %parallel_loop3A_173 = arith.constant 49356 : i32
      %parallel_loop3A_174 = arith.addi %parallel_loop3A_172, %parallel_loop3A_173 : i32
      %parallel_loop3A_175 = arith.index_cast %parallel_loop3A_174 : i32 to index
      %parallel_loop3A_176 = tpu.vector_load %arg6[%parallel_loop3A_175] {strides = array<i32>} : memref<65792xi32, #tpu.memory_space<vmem>>, vector<16xi32>,
      %parallel_loop3A_177 = arith.addi %parallel_loop3A_170, %parallel_loop3A_176 : vector<16xi32>
      %parallel_loop3A_178 = arith.constant 16 : i32
      %parallel_loop3A_179 = arith.muli %parallel_loop3A_84, %parallel_loop3A_178 : i32
      %parallel_loop3A_180 = arith.constant 53469 : i32
      %parallel_loop3A_181 = arith.addi %parallel_loop3A_179, %parallel_loop3A_180 : i32
      %parallel_loop3A_182 = arith.index_cast %parallel_loop3A_181 : i32 to index
      %parallel_loop3A_183 = tpu.vector_load %arg6[%parallel_loop3A_182] {strides = array<i32>} : memref<65792xi32, #tpu.memory_space<vmem>>, vector<16xi32>,
      %parallel_loop3A_184 = arith.addi %parallel_loop3A_177, %parallel_loop3A_183 : vector<16xi32>
      %parallel_loop3A_185 = arith.constant 16 : i32
      %parallel_loop3A_186 = arith.muli %parallel_loop3A_84, %parallel_loop3A_185 : i32
      %parallel_loop3A_187 = arith.constant 57582 : i32
      %parallel_loop3A_188 = arith.addi %parallel_loop3A_186, %parallel_loop3A_187 : i32
      %parallel_loop3A_189 = arith.index_cast %parallel_loop3A_188 : i32 to index
      %parallel_loop3A_190 = tpu.vector_load %arg6[%parallel_loop3A_189] {strides = array<i32>} : memref<65792xi32, #tpu.memory_space<vmem>>, vector<16xi32>,
      %parallel_loop3A_191 = arith.addi %parallel_loop3A_184, %parallel_loop3A_190 : vector<16xi32>
      %parallel_loop3A_192 = arith.constant 16 : i32
      %parallel_loop3A_193 = arith.muli %parallel_loop3A_84, %parallel_loop3A_192 : i32
      %parallel_loop3A_194 = arith.constant 61695 : i32
      %parallel_loop3A_195 = arith.addi %parallel_loop3A_193, %parallel_loop3A_194 : i32
      %parallel_loop3A_196 = arith.index_cast %parallel_loop3A_195 : i32 to index
      %parallel_loop3A_197 = tpu.vector_load %arg6[%parallel_loop3A_196] {strides = array<i32>} : memref<65792xi32, #tpu.memory_space<vmem>>, vector<16xi32>,
      %parallel_loop3A_198 = arith.addi %parallel_loop3A_191, %parallel_loop3A_197 : vector<16xi32>
      %parallel_loop3A_199 = arith.constant 16 : i32
      %parallel_loop3A_200 = arith.muli %parallel_loop3A_84, %parallel_loop3A_199 : i32
      %parallel_loop3A_201 = arith.index_cast %parallel_loop3A_200 : i32 to index
      %parallel_loop3A_202 = tpu.vector_load %arg7[%parallel_loop3A_201] {strides = array<i32>} : memref<4096xi32, #tpu.memory_space<vmem>>, vector<16xi32>,
      tpu.vector_store %arg7[%parallel_loop3A_201], %parallel_loop3A_198 {strides = array<i32>} : memref<4096xi32, #tpu.memory_space<vmem>>, vector<16xi32>,
    } {sc.loop_unroll_factor = 2 : i64, sc.parallel_access}
    %mul3A_82 = arith.constant 4096 : i32
    %mul3A_83 = arith.muli %add3A, %mul3A_82 : i32
    "tpu.region"() ({
      %run_scoped3A = tpu.sem_alloc : memref<!tpu.dma_semaphore, #tpu.memory_space<semaphore_mem>>
      %dma_start3A_84 = tpu.memref_slice %arg3[%mul3A_83] : memref<131072xi32, #tpu.memory_space<hbm>> -> memref<4096xi32, #tpu.memory_space<hbm>>
      %dma_start3A_85 = tpu.memref_slice %arg3[%mul3A_83] : memref<131072xi32, #tpu.memory_space<hbm>> -> memref<4096xi32, #tpu.memory_space<hbm>>
      tpu.enqueue_dma source(%arg7 : memref<4096xi32, #tpu.memory_space<vmem>>) target(%dma_start3A_85 : memref<4096xi32, #tpu.memory_space<hbm>>) target_semaphore(%run_scoped3A : memref<!tpu.dma_semaphore, #tpu.memory_space<semaphore_mem>>)
      %dma_wait3A_86 = tpu.memref_slice %arg3[%mul3A_83] : memref<131072xi32, #tpu.memory_space<hbm>> -> memref<4096xi32, #tpu.memory_space<hbm>>
      %dma_wait3A_87 = tpu.memref_slice %arg3[%mul3A_83] : memref<131072xi32, #tpu.memory_space<hbm>> -> memref<4096xi32, #tpu.memory_space<hbm>>
      tpu.wait_dma2 semaphore(%run_scoped3A : memref<!tpu.dma_semaphore, #tpu.memory_space<semaphore_mem>>) src(%arg7 : memref<4096xi32, #tpu.memory_space<vmem>>) dst(%dma_wait3A_87 : memref<4096xi32, #tpu.memory_space<hbm>>)
      tpu.yield
    }) : () -> ()
    return
  }
}

module attributes {stable_mosaic.version = 14 : i64} {
  func.func @_dark_body(%arg0: i32, %arg1: memref<1x3x512x512xf32, #tpu.memory_space<vmem>>, %arg2: memref<512x512xf32, #tpu.memory_space<vmem>>, %arg3: memref<1x4x512x128xf32, #tpu.memory_space<vmem>>) attributes {dimension_semantics = [#tpu.dimension_semantics<arbitrary>], iteration_bounds = array<i64: 16>, scalar_prefetch = 0 : i64, scratch_operands = 0 : i64, tpu.core_type = #tpu.core_type<tc>, window_params = [{transform_indices = @transform_0, window_bounds = array<i64: 1, 3, 512, 512>}, {pipeline_mode = #tpu.pipeline_mode<synchronous>, transform_indices = @transform_1, window_bounds = array<i64: 512, 512>}, {transform_indices = @transform_2, window_bounds = array<i64: 1, 4, 512, 128>}]} {
    %get3A = arith.constant 0 : index
    %get3A_0 = arith.constant 0 : index
    %get3A_1 = arith.constant 0 : index
    %get3A_2 = arith.constant 0 : index
    %get3A_3 = vector.load %arg1[%get3A, %get3A_0, %get3A_1, %get3A_2] : memref<1x3x512x512xf32, #tpu.memory_space<vmem>>, vector<1x3x512x512xf32>
    %get3A_4 = vector.shape_cast %get3A_3 : vector<1x3x512x512xf32> to vector<3x512x512xf32>
    %slice3A = vector.extract_strided_slice %get3A_4 {offsets = [0, 0, 0], sizes = [1, 512, 512], strides = [1, 1, 1]} : vector<3x512x512xf32> to vector<1x512x512xf32>
    %squeeze3A = vector.shape_cast %slice3A : vector<1x512x512xf32> to vector<512x512xf32>
    %slice3A_5 = vector.extract_strided_slice %get3A_4 {offsets = [1, 0, 0], sizes = [1, 512, 512], strides = [1, 1, 1]} : vector<3x512x512xf32> to vector<1x512x512xf32>
    %squeeze3A_6 = vector.shape_cast %slice3A_5 : vector<1x512x512xf32> to vector<512x512xf32>
    %min3A = arith.minimumf %squeeze3A, %squeeze3A_6 : vector<512x512xf32>
    %slice3A_7 = vector.extract_strided_slice %get3A_4 {offsets = [2, 0, 0], sizes = [1, 512, 512], strides = [1, 1, 1]} : vector<3x512x512xf32> to vector<1x512x512xf32>
    %squeeze3A_8 = vector.shape_cast %slice3A_7 : vector<1x512x512xf32> to vector<512x512xf32>
    %min3A_9 = arith.minimumf %min3A, %squeeze3A_8 : vector<512x512xf32>
    %get3A_10 = arith.constant 0 : index
    %get3A_11 = arith.constant 0 : index
    %get3A_12 = vector.load %arg2[%get3A_10, %get3A_11] : memref<512x512xf32, #tpu.memory_space<vmem>>, vector<512x512xf32>
    %dot_general3A = arith.constant dense<0.000000e+00> : vector<512x512xf32>
    %dot_general3A_13 = tpu.matmul %min3A_9, %get3A_12, %dot_general3A {dimension_numbers = #tpu.dot_dimension_numbers<[1], [0], [0], [1], [0, 0, 1, 1], [], []>, transpose_lhs_hint = false} : vector<512x512xf32>, vector<512x512xf32>, vector<512x512xf32> -> vector<512x512xf32>
    %broadcast_in_dim3A = arith.constant 0.000000e+00 : f32
    %broadcast_in_dim3A_14 = vector.broadcast %broadcast_in_dim3A : f32 to vector<8x512xf32>
    %concatenate3A = tpu.concatenate %broadcast_in_dim3A_14, %dot_general3A_13, %broadcast_in_dim3A_14 in 0 : vector<8x512xf32>, vector<512x512xf32>, vector<8x512xf32> -> vector<528x512xf32>
    %slice3A_15 = vector.extract_strided_slice %concatenate3A {offsets = [0, 0], sizes = [525, 512], strides = [1, 1]} : vector<528x512xf32> to vector<525x512xf32>
    %slice3A_16 = vector.extract_strided_slice %concatenate3A {offsets = [1, 0], sizes = [525, 512], strides = [1, 1]} : vector<528x512xf32> to vector<525x512xf32>
    %add3A = arith.addf %slice3A_15, %slice3A_16 : vector<525x512xf32>
    %slice3A_17 = vector.extract_strided_slice %add3A {offsets = [0, 0], sizes = [521, 512], strides = [1, 1]} : vector<525x512xf32> to vector<521x512xf32>
    %slice3A_18 = vector.extract_strided_slice %add3A {offsets = [2, 0], sizes = [521, 512], strides = [1, 1]} : vector<525x512xf32> to vector<521x512xf32>
    %add3A_19 = arith.addf %slice3A_17, %slice3A_18 : vector<521x512xf32>
    %slice3A_20 = vector.extract_strided_slice %add3A_19 {offsets = [0, 0], sizes = [513, 512], strides = [1, 1]} : vector<521x512xf32> to vector<513x512xf32>
    %slice3A_21 = vector.extract_strided_slice %add3A_19 {offsets = [4, 0], sizes = [513, 512], strides = [1, 1]} : vector<521x512xf32> to vector<513x512xf32>
    %add3A_22 = arith.addf %slice3A_20, %slice3A_21 : vector<513x512xf32>
    %slice3A_23 = vector.extract_strided_slice %add3A_22 {offsets = [1, 0], sizes = [512, 512], strides = [1, 1]} : vector<513x512xf32> to vector<512x512xf32>
    %slice3A_24 = vector.extract_strided_slice %add3A_19 {offsets = [9, 0], sizes = [512, 512], strides = [1, 1]} : vector<521x512xf32> to vector<512x512xf32>
    %add3A_25 = arith.addf %slice3A_23, %slice3A_24 : vector<512x512xf32>
    %slice3A_26 = vector.extract_strided_slice %add3A {offsets = [13, 0], sizes = [512, 512], strides = [1, 1]} : vector<525x512xf32> to vector<512x512xf32>
    %add3A_27 = arith.addf %add3A_25, %slice3A_26 : vector<512x512xf32>
    %slice3A_28 = vector.extract_strided_slice %concatenate3A {offsets = [15, 0], sizes = [512, 512], strides = [1, 1]} : vector<528x512xf32> to vector<512x512xf32>
    %add3A_29 = arith.addf %add3A_27, %slice3A_28 : vector<512x512xf32>
    %mul3A = arith.constant 0.00444444455 : f32
    %mul3A_30 = vector.broadcast %mul3A : f32 to vector<512x512xf32>
    %mul3A_31 = arith.mulf %add3A_29, %mul3A_30 : vector<512x512xf32>
    %slice3A_32 = vector.extract_strided_slice %mul3A_31 {offsets = [0, 0], sizes = [512, 128], strides = [1, 1]} : vector<512x512xf32> to vector<512x128xf32>
    %swap3A = arith.constant 0 : index
    %swap3A_33 = arith.constant 0 : index
    %swap3A_34 = arith.constant 0 : index
    %swap3A_35 = arith.constant 0 : index
    %swap3A_36 = vector.load %arg3[%swap3A, %swap3A_33, %swap3A_34, %swap3A_35] : memref<1x4x512x128xf32, #tpu.memory_space<vmem>>, vector<1x1x512x128xf32>
    %swap3A_37 = vector.shape_cast %swap3A_36 : vector<1x1x512x128xf32> to vector<512x128xf32>
    %swap3A_38 = vector.shape_cast %slice3A_32 : vector<512x128xf32> to vector<1x1x512x128xf32>
    tpu.vector_store %arg3[%swap3A, %swap3A_33, %swap3A_34, %swap3A_35], %swap3A_38 {strides = array<i32>} : memref<1x4x512x128xf32, #tpu.memory_space<vmem>>, vector<1x1x512x128xf32>,
    %slice3A_39 = vector.extract_strided_slice %mul3A_31 {offsets = [0, 128], sizes = [512, 128], strides = [1, 1]} : vector<512x512xf32> to vector<512x128xf32>
    %swap3A_40 = arith.constant 0 : index
    %swap3A_41 = arith.constant 1 : index
    %swap3A_42 = arith.constant 0 : index
    %swap3A_43 = arith.constant 0 : index
    %swap3A_44 = vector.load %arg3[%swap3A_40, %swap3A_41, %swap3A_42, %swap3A_43] : memref<1x4x512x128xf32, #tpu.memory_space<vmem>>, vector<1x1x512x128xf32>
    %swap3A_45 = vector.shape_cast %swap3A_44 : vector<1x1x512x128xf32> to vector<512x128xf32>
    %swap3A_46 = vector.shape_cast %slice3A_39 : vector<512x128xf32> to vector<1x1x512x128xf32>
    tpu.vector_store %arg3[%swap3A_40, %swap3A_41, %swap3A_42, %swap3A_43], %swap3A_46 {strides = array<i32>} : memref<1x4x512x128xf32, #tpu.memory_space<vmem>>, vector<1x1x512x128xf32>,
    %slice3A_47 = vector.extract_strided_slice %mul3A_31 {offsets = [0, 256], sizes = [512, 128], strides = [1, 1]} : vector<512x512xf32> to vector<512x128xf32>
    %swap3A_48 = arith.constant 0 : index
    %swap3A_49 = arith.constant 2 : index
    %swap3A_50 = arith.constant 0 : index
    %swap3A_51 = arith.constant 0 : index
    %swap3A_52 = vector.load %arg3[%swap3A_48, %swap3A_49, %swap3A_50, %swap3A_51] : memref<1x4x512x128xf32, #tpu.memory_space<vmem>>, vector<1x1x512x128xf32>
    %swap3A_53 = vector.shape_cast %swap3A_52 : vector<1x1x512x128xf32> to vector<512x128xf32>
    %swap3A_54 = vector.shape_cast %slice3A_47 : vector<512x128xf32> to vector<1x1x512x128xf32>
    tpu.vector_store %arg3[%swap3A_48, %swap3A_49, %swap3A_50, %swap3A_51], %swap3A_54 {strides = array<i32>} : memref<1x4x512x128xf32, #tpu.memory_space<vmem>>, vector<1x1x512x128xf32>,
    %slice3A_55 = vector.extract_strided_slice %mul3A_31 {offsets = [0, 384], sizes = [512, 128], strides = [1, 1]} : vector<512x512xf32> to vector<512x128xf32>
    %swap3A_56 = arith.constant 0 : index
    %swap3A_57 = arith.constant 3 : index
    %swap3A_58 = arith.constant 0 : index
    %swap3A_59 = arith.constant 0 : index
    %swap3A_60 = vector.load %arg3[%swap3A_56, %swap3A_57, %swap3A_58, %swap3A_59] : memref<1x4x512x128xf32, #tpu.memory_space<vmem>>, vector<1x1x512x128xf32>
    %swap3A_61 = vector.shape_cast %swap3A_60 : vector<1x1x512x128xf32> to vector<512x128xf32>
    %swap3A_62 = vector.shape_cast %slice3A_55 : vector<512x128xf32> to vector<1x1x512x128xf32>
    tpu.vector_store %arg3[%swap3A_56, %swap3A_57, %swap3A_58, %swap3A_59], %swap3A_62 {strides = array<i32>} : memref<1x4x512x128xf32, #tpu.memory_space<vmem>>, vector<1x1x512x128xf32>,
    return
  }
  func.func @transform_0(%arg0: i32) -> (i32, i32, i32, i32) {
    %add3A = arith.constant 0 : i32
    %add3A_0 = arith.addi %arg0, %add3A : i32
    %c0_i32 = arith.constant 0 : i32
    %c0_i32_1 = arith.constant 0 : i32
    %c0_i32_2 = arith.constant 0 : i32
    %c0_i32_3 = arith.constant 0 : i32
    return %add3A_0, %c0_i32, %c0_i32_1, %c0_i32_2 : i32, i32, i32, i32
  }
  func.func @transform_1(%arg0: i32) -> (i32, i32) {
    %c0_i32 = arith.constant 0 : i32
    %c0_i32_0 = arith.constant 0 : i32
    %c0_i32_1 = arith.constant 0 : i32
    return %c0_i32, %c0_i32_0 : i32, i32
  }
  func.func @transform_2(%arg0: i32) -> (i32, i32, i32, i32) {
    %c0_i32 = arith.constant 0 : i32
    %c0_i32_0 = arith.constant 0 : i32
    %c0_i32_1 = arith.constant 0 : i32
    %c0_i32_2 = arith.constant 0 : i32
    return %arg0, %c0_i32, %c0_i32_0, %c0_i32_1 : i32, i32, i32, i32
  }
}

module attributes {stable_mosaic.version = 14 : i64} {
  func.func @_fused_body(%arg0: i32, %arg1: memref<16xf32, #tpu.memory_space<smem>>, %arg2: memref<1x2x4096xi32, #tpu.memory_space<vmem>>, %arg3: memref<1x3x512x512xf32, #tpu.memory_space<vmem>>, %arg4: memref<1x4x512x128xf32, #tpu.memory_space<vmem>>, %arg5: memref<1x3x512x512xf32, #tpu.memory_space<vmem>>) attributes {dimension_semantics = [#tpu.dimension_semantics<arbitrary>], iteration_bounds = array<i64: 16>, scalar_prefetch = 0 : i64, scratch_operands = 0 : i64, tpu.core_type = #tpu.core_type<tc>, window_params = [{transform_indices = @transform_0, window_bounds = array<i64: 16>}, {transform_indices = @transform_1, window_bounds = array<i64: 1, 2, 4096>}, {transform_indices = @transform_2, window_bounds = array<i64: 1, 3, 512, 512>}, {transform_indices = @transform_3, window_bounds = array<i64: 1, 4, 512, 128>}, {transform_indices = @transform_4, window_bounds = array<i64: 1, 3, 512, 512>}]} {
    %get3A = arith.constant 0 : index
    %get3A_0 = arith.constant 0 : index
    %get3A_1 = arith.constant 0 : index
    %get3A_2 = vector.load %arg2[%get3A, %get3A_0, %get3A_1] : memref<1x2x4096xi32, #tpu.memory_space<vmem>>, vector<1x2x4096xi32>
    %get3A_3 = vector.shape_cast %get3A_2 : vector<1x2x4096xi32> to vector<2x4096xi32>
    %slice3A = vector.extract_strided_slice %get3A_3 {offsets = [0, 0], sizes = [1, 4096], strides = [1, 1]} : vector<2x4096xi32> to vector<1x4096xi32>
    %squeeze3A = vector.shape_cast %slice3A : vector<1x4096xi32> to vector<4096xi32>
    %slice3A_4 = vector.extract_strided_slice %get3A_3 {offsets = [1, 0], sizes = [1, 4096], strides = [1, 1]} : vector<2x4096xi32> to vector<1x4096xi32>
    %squeeze3A_5 = vector.shape_cast %slice3A_4 : vector<1x4096xi32> to vector<4096xi32>
    %add3A = arith.addi %squeeze3A, %squeeze3A_5 : vector<4096xi32>
    %slice3A_6 = vector.extract_strided_slice %add3A {offsets = [1], sizes = [4095], strides = [1]} : vector<4096xi32> to vector<4095xi32>
    %broadcast_in_dim3A = arith.constant 0 : i32
    %broadcast_in_dim3A_7 = vector.broadcast %broadcast_in_dim3A : i32 to vector<1xi32>
    %concatenate3A = tpu.concatenate %slice3A_6, %broadcast_in_dim3A_7 in 0 : vector<4095xi32>, vector<1xi32> -> vector<4096xi32>
    %add3A_8 = arith.addi %add3A, %concatenate3A : vector<4096xi32>
    %slice3A_9 = vector.extract_strided_slice %add3A_8 {offsets = [2], sizes = [4094], strides = [1]} : vector<4096xi32> to vector<4094xi32>
    %broadcast_in_dim3A_10 = arith.constant 0 : i32
    %broadcast_in_dim3A_11 = vector.broadcast %broadcast_in_dim3A_10 : i32 to vector<2xi32>
    %concatenate3A_12 = tpu.concatenate %slice3A_9, %broadcast_in_dim3A_11 in 0 : vector<4094xi32>, vector<2xi32> -> vector<4096xi32>
    %add3A_13 = arith.addi %add3A_8, %concatenate3A_12 : vector<4096xi32>
    %slice3A_14 = vector.extract_strided_slice %add3A_13 {offsets = [4], sizes = [4092], strides = [1]} : vector<4096xi32> to vector<4092xi32>
    %broadcast_in_dim3A_15 = arith.constant 0 : i32
    %broadcast_in_dim3A_16 = vector.broadcast %broadcast_in_dim3A_15 : i32 to vector<4xi32>
    %concatenate3A_17 = tpu.concatenate %slice3A_14, %broadcast_in_dim3A_16 in 0 : vector<4092xi32>, vector<4xi32> -> vector<4096xi32>
    %add3A_18 = arith.addi %add3A_13, %concatenate3A_17 : vector<4096xi32>
    %slice3A_19 = vector.extract_strided_slice %add3A_18 {offsets = [8], sizes = [4088], strides = [1]} : vector<4096xi32> to vector<4088xi32>
    %broadcast_in_dim3A_20 = arith.constant 0 : i32
    %broadcast_in_dim3A_21 = vector.broadcast %broadcast_in_dim3A_20 : i32 to vector<8xi32>
    %concatenate3A_22 = tpu.concatenate %slice3A_19, %broadcast_in_dim3A_21 in 0 : vector<4088xi32>, vector<8xi32> -> vector<4096xi32>
    %add3A_23 = arith.addi %add3A_18, %concatenate3A_22 : vector<4096xi32>
    %slice3A_24 = vector.extract_strided_slice %add3A_23 {offsets = [16], sizes = [4080], strides = [1]} : vector<4096xi32> to vector<4080xi32>
    %broadcast_in_dim3A_25 = arith.constant 0 : i32
    %broadcast_in_dim3A_26 = vector.broadcast %broadcast_in_dim3A_25 : i32 to vector<16xi32>
    %concatenate3A_27 = tpu.concatenate %slice3A_24, %broadcast_in_dim3A_26 in 0 : vector<4080xi32>, vector<16xi32> -> vector<4096xi32>
    %add3A_28 = arith.addi %add3A_23, %concatenate3A_27 : vector<4096xi32>
    %slice3A_29 = vector.extract_strided_slice %add3A_28 {offsets = [32], sizes = [4064], strides = [1]} : vector<4096xi32> to vector<4064xi32>
    %broadcast_in_dim3A_30 = arith.constant 0 : i32
    %broadcast_in_dim3A_31 = vector.broadcast %broadcast_in_dim3A_30 : i32 to vector<32xi32>
    %concatenate3A_32 = tpu.concatenate %slice3A_29, %broadcast_in_dim3A_31 in 0 : vector<4064xi32>, vector<32xi32> -> vector<4096xi32>
    %add3A_33 = arith.addi %add3A_28, %concatenate3A_32 : vector<4096xi32>
    %slice3A_34 = vector.extract_strided_slice %add3A_33 {offsets = [64], sizes = [4032], strides = [1]} : vector<4096xi32> to vector<4032xi32>
    %broadcast_in_dim3A_35 = arith.constant 0 : i32
    %broadcast_in_dim3A_36 = vector.broadcast %broadcast_in_dim3A_35 : i32 to vector<64xi32>
    %concatenate3A_37 = tpu.concatenate %slice3A_34, %broadcast_in_dim3A_36 in 0 : vector<4032xi32>, vector<64xi32> -> vector<4096xi32>
    %add3A_38 = arith.addi %add3A_33, %concatenate3A_37 : vector<4096xi32>
    %slice3A_39 = vector.extract_strided_slice %add3A_38 {offsets = [128], sizes = [3968], strides = [1]} : vector<4096xi32> to vector<3968xi32>
    %broadcast_in_dim3A_40 = arith.constant 0 : i32
    %broadcast_in_dim3A_41 = vector.broadcast %broadcast_in_dim3A_40 : i32 to vector<128xi32>
    %concatenate3A_42 = tpu.concatenate %slice3A_39, %broadcast_in_dim3A_41 in 0 : vector<3968xi32>, vector<128xi32> -> vector<4096xi32>
    %add3A_43 = arith.addi %add3A_38, %concatenate3A_42 : vector<4096xi32>
    %slice3A_44 = vector.extract_strided_slice %add3A_43 {offsets = [256], sizes = [3840], strides = [1]} : vector<4096xi32> to vector<3840xi32>
    %broadcast_in_dim3A_45 = arith.constant 0 : i32
    %broadcast_in_dim3A_46 = vector.broadcast %broadcast_in_dim3A_45 : i32 to vector<256xi32>
    %concatenate3A_47 = tpu.concatenate %slice3A_44, %broadcast_in_dim3A_46 in 0 : vector<3840xi32>, vector<256xi32> -> vector<4096xi32>
    %add3A_48 = arith.addi %add3A_43, %concatenate3A_47 : vector<4096xi32>
    %slice3A_49 = vector.extract_strided_slice %add3A_48 {offsets = [512], sizes = [3584], strides = [1]} : vector<4096xi32> to vector<3584xi32>
    %broadcast_in_dim3A_50 = arith.constant 0 : i32
    %broadcast_in_dim3A_51 = vector.broadcast %broadcast_in_dim3A_50 : i32 to vector<512xi32>
    %concatenate3A_52 = tpu.concatenate %slice3A_49, %broadcast_in_dim3A_51 in 0 : vector<3584xi32>, vector<512xi32> -> vector<4096xi32>
    %add3A_53 = arith.addi %add3A_48, %concatenate3A_52 : vector<4096xi32>
    %slice3A_54 = vector.extract_strided_slice %add3A_53 {offsets = [1024], sizes = [3072], strides = [1]} : vector<4096xi32> to vector<3072xi32>
    %broadcast_in_dim3A_55 = arith.constant 0 : i32
    %broadcast_in_dim3A_56 = vector.broadcast %broadcast_in_dim3A_55 : i32 to vector<1024xi32>
    %concatenate3A_57 = tpu.concatenate %slice3A_54, %broadcast_in_dim3A_56 in 0 : vector<3072xi32>, vector<1024xi32> -> vector<4096xi32>
    %add3A_58 = arith.addi %add3A_53, %concatenate3A_57 : vector<4096xi32>
    %slice3A_59 = vector.extract_strided_slice %add3A_58 {offsets = [2048], sizes = [2048], strides = [1]} : vector<4096xi32> to vector<2048xi32>
    %broadcast_in_dim3A_60 = arith.constant 0 : i32
    %broadcast_in_dim3A_61 = vector.broadcast %broadcast_in_dim3A_60 : i32 to vector<2048xi32>
    %concatenate3A_62 = tpu.concatenate %slice3A_59, %broadcast_in_dim3A_61 in 0 : vector<2048xi32>, vector<2048xi32> -> vector<4096xi32>
    %add3A_63 = arith.addi %add3A_58, %concatenate3A_62 : vector<4096xi32>
    %sub3A = arith.subi %add3A_63, %add3A : vector<4096xi32>
    %ge3A = arith.constant 13107 : i32
    %ge3A_64 = vector.broadcast %ge3A : i32 to vector<4096xi32>
    %ge3A_65 = arith.cmpi sge, %sub3A, %ge3A_64 : vector<4096xi32>
    %convert_element_type3A = arith.extui %ge3A_65 : vector<4096xi1> to vector<4096xi32>
    %reduce_sum3A = vector.shape_cast %convert_element_type3A : vector<4096xi32> to vector<1x4096xi32>
    %reduce_sum3A_66 = arith.constant dense<0> : vector<1xi32>
    %reduce_sum3A_67 = vector.multi_reduction <add>, %reduce_sum3A, %reduce_sum3A_66 [1] : vector<1x4096xi32> to vector<1xi32>
    %reduce_sum3A_68 = vector.shape_cast %reduce_sum3A_67 : vector<1xi32> to vector<1x1xi32>
    %reduce_sum3A_69 = vector.extract %reduce_sum3A_68[0, 0] : i32 from vector<1x1xi32>
    %iota3A = tpu.iota {dimensions = array<i32: 1>} : vector<1x4096xi32>
    %iota3A_70 = vector.shape_cast %iota3A : vector<1x4096xi32> to vector<4096xi32>
    %gt3A = vector.broadcast %reduce_sum3A_69 : i32 to vector<4096xi32>
    %gt3A_71 = arith.cmpi sgt, %iota3A_70, %gt3A : vector<4096xi32>
    %jit3A = arith.constant 0 : i32
    %broadcast_in_dim3A_72 = vector.broadcast %jit3A : i32 to vector<4096xi32>
    %select_n3A = arith.select %gt3A_71, %add3A, %broadcast_in_dim3A_72 : vector<4096xi1>, vector<4096xi32>
    %reduce_sum3A_73 = vector.shape_cast %select_n3A : vector<4096xi32> to vector<1x4096xi32>
    %reduce_sum3A_74 = arith.constant dense<0> : vector<1xi32>
    %reduce_sum3A_75 = vector.multi_reduction <add>, %reduce_sum3A_73, %reduce_sum3A_74 [1] : vector<1x4096xi32> to vector<1xi32>
    %reduce_sum3A_76 = vector.shape_cast %reduce_sum3A_75 : vector<1xi32> to vector<1x1xi32>
    %reduce_sum3A_77 = vector.extract %reduce_sum3A_76[0, 0] : i32 from vector<1x1xi32>
    %convert_element_type3A_78 = arith.sitofp %reduce_sum3A_77 : i32 to f32
    %eq3A = vector.broadcast %reduce_sum3A_69 : i32 to vector<4096xi32>
    %eq3A_79 = arith.cmpi eq, %iota3A_70, %eq3A : vector<4096xi32>
    %jit3A_80 = arith.constant 0 : i32
    %broadcast_in_dim3A_81 = vector.broadcast %jit3A_80 : i32 to vector<4096xi32>
    %select_n3A_82 = arith.select %eq3A_79, %add3A, %broadcast_in_dim3A_81 : vector<4096xi1>, vector<4096xi32>
    %reduce_sum3A_83 = vector.shape_cast %select_n3A_82 : vector<4096xi32> to vector<1x4096xi32>
    %reduce_sum3A_84 = arith.constant dense<0> : vector<1xi32>
    %reduce_sum3A_85 = vector.multi_reduction <add>, %reduce_sum3A_83, %reduce_sum3A_84 [1] : vector<1x4096xi32> to vector<1xi32>
    %reduce_sum3A_86 = vector.shape_cast %reduce_sum3A_85 : vector<1xi32> to vector<1x1xi32>
    %reduce_sum3A_87 = vector.extract %reduce_sum3A_86[0, 0] : i32 from vector<1x1xi32>
    %convert_element_type3A_88 = arith.sitofp %reduce_sum3A_87 : i32 to f32
    %sub3A_89 = arith.constant 1.310700e+04 : f32
    %sub3A_90 = arith.subf %sub3A_89, %convert_element_type3A_78 : f32
    %max3A = arith.constant 1.000000e+00 : f32
    %max3A_91 = arith.maximumf %convert_element_type3A_88, %max3A : f32
    %div3A = arith.divf %sub3A_90, %max3A_91 : f32
    %jit3A_92 = arith.constant 0.000000e+00 : f32
    %jit3A_93 = arith.constant 1.000000e+00 : f32
    %max3A_94 = arith.maximumf %jit3A_92, %div3A : f32
    %min3A = arith.minimumf %jit3A_93, %max3A_94 : f32
    %get3A_95 = arith.constant 0 : index
    %get3A_96 = arith.constant 0 : index
    %get3A_97 = arith.constant 0 : index
    %get3A_98 = arith.constant 0 : index
    %get3A_99 = vector.load %arg3[%get3A_95, %get3A_96, %get3A_97, %get3A_98] : memref<1x3x512x512xf32, #tpu.memory_space<vmem>>, vector<1x3x512x512xf32>
    %get3A_100 = vector.shape_cast %get3A_99 : vector<1x3x512x512xf32> to vector<3x512x512xf32>
    %get3A_101 = arith.index_cast %arg0 : i32 to index
    %get3A_102 = memref.load %arg1[%get3A_101] : memref<16xf32, #tpu.memory_space<smem>>
    %get3A_103 = arith.constant 0 : index
    %get3A_104 = arith.constant 0 : index
    %get3A_105 = arith.constant 0 : index
    %get3A_106 = arith.constant 0 : index
    %get3A_107 = vector.load %arg4[%get3A_103, %get3A_104, %get3A_105, %get3A_106] : memref<1x4x512x128xf32, #tpu.memory_space<vmem>>, vector<1x1x512x128xf32>
    %get3A_108 = vector.shape_cast %get3A_107 : vector<1x1x512x128xf32> to vector<512x128xf32>
    %mul3A = arith.constant 4.096000e+03 : f32
    %mul3A_109 = vector.broadcast %mul3A : f32 to vector<512x128xf32>
    %mul3A_110 = arith.mulf %get3A_108, %mul3A_109 : vector<512x128xf32>
    %convert_element_type3A_111 = arith.fptosi %mul3A_110 : vector<512x128xf32> to vector<512x128xi32>
    %min3A_112 = arith.constant 4095 : i32
    %min3A_113 = vector.broadcast %min3A_112 : i32 to vector<512x128xi32>
    %min3A_114 = arith.minsi %convert_element_type3A_111, %min3A_113 : vector<512x128xi32>
    %gt3A_115 = vector.broadcast %reduce_sum3A_69 : i32 to vector<512x128xi32>
    %gt3A_116 = arith.cmpi sgt, %min3A_114, %gt3A_115 : vector<512x128xi32>
    %eq3A_117 = vector.broadcast %reduce_sum3A_69 : i32 to vector<512x128xi32>
    %eq3A_118 = arith.cmpi eq, %min3A_114, %eq3A_117 : vector<512x128xi32>
    %jit3A_119 = arith.constant 0.000000e+00 : f32
    %broadcast_in_dim3A_120 = vector.broadcast %min3A : f32 to vector<512x128xf32>
    %broadcast_in_dim3A_121 = vector.broadcast %jit3A_119 : f32 to vector<512x128xf32>
    %select_n3A_122 = arith.select %eq3A_118, %broadcast_in_dim3A_120, %broadcast_in_dim3A_121 : vector<512x128xi1>, vector<512x128xf32>
    %jit3A_123 = arith.constant 1.000000e+00 : f32
    %broadcast_in_dim3A_124 = vector.broadcast %jit3A_123 : f32 to vector<512x128xf32>
    %select_n3A_125 = arith.select %gt3A_116, %broadcast_in_dim3A_124, %select_n3A_122 : vector<512x128xi1>, vector<512x128xf32>
    %mul3A_126 = vector.broadcast %get3A_102 : f32 to vector<512x128xf32>
    %mul3A_127 = arith.mulf %mul3A_126, %get3A_108 : vector<512x128xf32>
    %sub3A_128 = arith.constant 1.000000e+00 : f32
    %sub3A_129 = vector.broadcast %sub3A_128 : f32 to vector<512x128xf32>
    %sub3A_130 = arith.subf %sub3A_129, %mul3A_127 : vector<512x128xf32>
    %max3A_131 = arith.constant 1.000000e-01 : f32
    %max3A_132 = vector.broadcast %max3A_131 : f32 to vector<512x128xf32>
    %max3A_133 = arith.maximumf %sub3A_130, %max3A_132 : vector<512x128xf32>
    %add3A_134 = arith.constant 1.000000e-03 : f32
    %add3A_135 = vector.broadcast %add3A_134 : f32 to vector<512x128xf32>
    %add3A_136 = arith.addf %max3A_133, %add3A_135 : vector<512x128xf32>
    %div3A_137 = arith.constant 1.000000e+00 : f32
    %div3A_138 = vector.broadcast %div3A_137 : f32 to vector<512x128xf32>
    %div3A_139 = arith.divf %div3A_138, %add3A_136 : vector<512x128xf32>
    %get3A_140 = arith.constant 0 : index
    %get3A_141 = arith.constant 1 : index
    %get3A_142 = arith.constant 0 : index
    %get3A_143 = arith.constant 0 : index
    %get3A_144 = vector.load %arg4[%get3A_140, %get3A_141, %get3A_142, %get3A_143] : memref<1x4x512x128xf32, #tpu.memory_space<vmem>>, vector<1x1x512x128xf32>
    %get3A_145 = vector.shape_cast %get3A_144 : vector<1x1x512x128xf32> to vector<512x128xf32>
    %mul3A_146 = arith.constant 4.096000e+03 : f32
    %mul3A_147 = vector.broadcast %mul3A_146 : f32 to vector<512x128xf32>
    %mul3A_148 = arith.mulf %get3A_145, %mul3A_147 : vector<512x128xf32>
    %convert_element_type3A_149 = arith.fptosi %mul3A_148 : vector<512x128xf32> to vector<512x128xi32>
    %min3A_150 = arith.constant 4095 : i32
    %min3A_151 = vector.broadcast %min3A_150 : i32 to vector<512x128xi32>
    %min3A_152 = arith.minsi %convert_element_type3A_149, %min3A_151 : vector<512x128xi32>
    %gt3A_153 = vector.broadcast %reduce_sum3A_69 : i32 to vector<512x128xi32>
    %gt3A_154 = arith.cmpi sgt, %min3A_152, %gt3A_153 : vector<512x128xi32>
    %eq3A_155 = vector.broadcast %reduce_sum3A_69 : i32 to vector<512x128xi32>
    %eq3A_156 = arith.cmpi eq, %min3A_152, %eq3A_155 : vector<512x128xi32>
    %jit3A_157 = arith.constant 0.000000e+00 : f32
    %broadcast_in_dim3A_158 = vector.broadcast %min3A : f32 to vector<512x128xf32>
    %broadcast_in_dim3A_159 = vector.broadcast %jit3A_157 : f32 to vector<512x128xf32>
    %select_n3A_160 = arith.select %eq3A_156, %broadcast_in_dim3A_158, %broadcast_in_dim3A_159 : vector<512x128xi1>, vector<512x128xf32>
    %jit3A_161 = arith.constant 1.000000e+00 : f32
    %broadcast_in_dim3A_162 = vector.broadcast %jit3A_161 : f32 to vector<512x128xf32>
    %select_n3A_163 = arith.select %gt3A_154, %broadcast_in_dim3A_162, %select_n3A_160 : vector<512x128xi1>, vector<512x128xf32>
    %mul3A_164 = vector.broadcast %get3A_102 : f32 to vector<512x128xf32>
    %mul3A_165 = arith.mulf %mul3A_164, %get3A_145 : vector<512x128xf32>
    %sub3A_166 = arith.constant 1.000000e+00 : f32
    %sub3A_167 = vector.broadcast %sub3A_166 : f32 to vector<512x128xf32>
    %sub3A_168 = arith.subf %sub3A_167, %mul3A_165 : vector<512x128xf32>
    %max3A_169 = arith.constant 1.000000e-01 : f32
    %max3A_170 = vector.broadcast %max3A_169 : f32 to vector<512x128xf32>
    %max3A_171 = arith.maximumf %sub3A_168, %max3A_170 : vector<512x128xf32>
    %add3A_172 = arith.constant 1.000000e-03 : f32
    %add3A_173 = vector.broadcast %add3A_172 : f32 to vector<512x128xf32>
    %add3A_174 = arith.addf %max3A_171, %add3A_173 : vector<512x128xf32>
    %div3A_175 = arith.constant 1.000000e+00 : f32
    %div3A_176 = vector.broadcast %div3A_175 : f32 to vector<512x128xf32>
    %div3A_177 = arith.divf %div3A_176, %add3A_174 : vector<512x128xf32>
    %get3A_178 = arith.constant 0 : index
    %get3A_179 = arith.constant 2 : index
    %get3A_180 = arith.constant 0 : index
    %get3A_181 = arith.constant 0 : index
    %get3A_182 = vector.load %arg4[%get3A_178, %get3A_179, %get3A_180, %get3A_181] : memref<1x4x512x128xf32, #tpu.memory_space<vmem>>, vector<1x1x512x128xf32>
    %get3A_183 = vector.shape_cast %get3A_182 : vector<1x1x512x128xf32> to vector<512x128xf32>
    %mul3A_184 = arith.constant 4.096000e+03 : f32
    %mul3A_185 = vector.broadcast %mul3A_184 : f32 to vector<512x128xf32>
    %mul3A_186 = arith.mulf %get3A_183, %mul3A_185 : vector<512x128xf32>
    %convert_element_type3A_187 = arith.fptosi %mul3A_186 : vector<512x128xf32> to vector<512x128xi32>
    %min3A_188 = arith.constant 4095 : i32
    %min3A_189 = vector.broadcast %min3A_188 : i32 to vector<512x128xi32>
    %min3A_190 = arith.minsi %convert_element_type3A_187, %min3A_189 : vector<512x128xi32>
    %gt3A_191 = vector.broadcast %reduce_sum3A_69 : i32 to vector<512x128xi32>
    %gt3A_192 = arith.cmpi sgt, %min3A_190, %gt3A_191 : vector<512x128xi32>
    %eq3A_193 = vector.broadcast %reduce_sum3A_69 : i32 to vector<512x128xi32>
    %eq3A_194 = arith.cmpi eq, %min3A_190, %eq3A_193 : vector<512x128xi32>
    %jit3A_195 = arith.constant 0.000000e+00 : f32
    %broadcast_in_dim3A_196 = vector.broadcast %min3A : f32 to vector<512x128xf32>
    %broadcast_in_dim3A_197 = vector.broadcast %jit3A_195 : f32 to vector<512x128xf32>
    %select_n3A_198 = arith.select %eq3A_194, %broadcast_in_dim3A_196, %broadcast_in_dim3A_197 : vector<512x128xi1>, vector<512x128xf32>
    %jit3A_199 = arith.constant 1.000000e+00 : f32
    %broadcast_in_dim3A_200 = vector.broadcast %jit3A_199 : f32 to vector<512x128xf32>
    %select_n3A_201 = arith.select %gt3A_192, %broadcast_in_dim3A_200, %select_n3A_198 : vector<512x128xi1>, vector<512x128xf32>
    %mul3A_202 = vector.broadcast %get3A_102 : f32 to vector<512x128xf32>
    %mul3A_203 = arith.mulf %mul3A_202, %get3A_183 : vector<512x128xf32>
    %sub3A_204 = arith.constant 1.000000e+00 : f32
    %sub3A_205 = vector.broadcast %sub3A_204 : f32 to vector<512x128xf32>
    %sub3A_206 = arith.subf %sub3A_205, %mul3A_203 : vector<512x128xf32>
    %max3A_207 = arith.constant 1.000000e-01 : f32
    %max3A_208 = vector.broadcast %max3A_207 : f32 to vector<512x128xf32>
    %max3A_209 = arith.maximumf %sub3A_206, %max3A_208 : vector<512x128xf32>
    %add3A_210 = arith.constant 1.000000e-03 : f32
    %add3A_211 = vector.broadcast %add3A_210 : f32 to vector<512x128xf32>
    %add3A_212 = arith.addf %max3A_209, %add3A_211 : vector<512x128xf32>
    %div3A_213 = arith.constant 1.000000e+00 : f32
    %div3A_214 = vector.broadcast %div3A_213 : f32 to vector<512x128xf32>
    %div3A_215 = arith.divf %div3A_214, %add3A_212 : vector<512x128xf32>
    %get3A_216 = arith.constant 0 : index
    %get3A_217 = arith.constant 3 : index
    %get3A_218 = arith.constant 0 : index
    %get3A_219 = arith.constant 0 : index
    %get3A_220 = vector.load %arg4[%get3A_216, %get3A_217, %get3A_218, %get3A_219] : memref<1x4x512x128xf32, #tpu.memory_space<vmem>>, vector<1x1x512x128xf32>
    %get3A_221 = vector.shape_cast %get3A_220 : vector<1x1x512x128xf32> to vector<512x128xf32>
    %mul3A_222 = arith.constant 4.096000e+03 : f32
    %mul3A_223 = vector.broadcast %mul3A_222 : f32 to vector<512x128xf32>
    %mul3A_224 = arith.mulf %get3A_221, %mul3A_223 : vector<512x128xf32>
    %convert_element_type3A_225 = arith.fptosi %mul3A_224 : vector<512x128xf32> to vector<512x128xi32>
    %min3A_226 = arith.constant 4095 : i32
    %min3A_227 = vector.broadcast %min3A_226 : i32 to vector<512x128xi32>
    %min3A_228 = arith.minsi %convert_element_type3A_225, %min3A_227 : vector<512x128xi32>
    %gt3A_229 = vector.broadcast %reduce_sum3A_69 : i32 to vector<512x128xi32>
    %gt3A_230 = arith.cmpi sgt, %min3A_228, %gt3A_229 : vector<512x128xi32>
    %eq3A_231 = vector.broadcast %reduce_sum3A_69 : i32 to vector<512x128xi32>
    %eq3A_232 = arith.cmpi eq, %min3A_228, %eq3A_231 : vector<512x128xi32>
    %jit3A_233 = arith.constant 0.000000e+00 : f32
    %broadcast_in_dim3A_234 = vector.broadcast %min3A : f32 to vector<512x128xf32>
    %broadcast_in_dim3A_235 = vector.broadcast %jit3A_233 : f32 to vector<512x128xf32>
    %select_n3A_236 = arith.select %eq3A_232, %broadcast_in_dim3A_234, %broadcast_in_dim3A_235 : vector<512x128xi1>, vector<512x128xf32>
    %jit3A_237 = arith.constant 1.000000e+00 : f32
    %broadcast_in_dim3A_238 = vector.broadcast %jit3A_237 : f32 to vector<512x128xf32>
    %select_n3A_239 = arith.select %gt3A_230, %broadcast_in_dim3A_238, %select_n3A_236 : vector<512x128xi1>, vector<512x128xf32>
    %mul3A_240 = vector.broadcast %get3A_102 : f32 to vector<512x128xf32>
    %mul3A_241 = arith.mulf %mul3A_240, %get3A_221 : vector<512x128xf32>
    %sub3A_242 = arith.constant 1.000000e+00 : f32
    %sub3A_243 = vector.broadcast %sub3A_242 : f32 to vector<512x128xf32>
    %sub3A_244 = arith.subf %sub3A_243, %mul3A_241 : vector<512x128xf32>
    %max3A_245 = arith.constant 1.000000e-01 : f32
    %max3A_246 = vector.broadcast %max3A_245 : f32 to vector<512x128xf32>
    %max3A_247 = arith.maximumf %sub3A_244, %max3A_246 : vector<512x128xf32>
    %add3A_248 = arith.constant 1.000000e-03 : f32
    %add3A_249 = vector.broadcast %add3A_248 : f32 to vector<512x128xf32>
    %add3A_250 = arith.addf %max3A_247, %add3A_249 : vector<512x128xf32>
    %div3A_251 = arith.constant 1.000000e+00 : f32
    %div3A_252 = vector.broadcast %div3A_251 : f32 to vector<512x128xf32>
    %div3A_253 = arith.divf %div3A_252, %add3A_250 : vector<512x128xf32>
    %slice3A_254 = vector.extract_strided_slice %get3A_100 {offsets = [0, 0, 0], sizes = [1, 512, 128], strides = [1, 1, 1]} : vector<3x512x512xf32> to vector<1x512x128xf32>
    %squeeze3A_255 = vector.shape_cast %slice3A_254 : vector<1x512x128xf32> to vector<512x128xf32>
    %mul3A_256 = arith.mulf %select_n3A_125, %squeeze3A_255 : vector<512x128xf32>
    %reduce_sum3A_257 = vector.shape_cast %mul3A_256 : vector<512x128xf32> to vector<1x512x128xf32>
    %reduce_sum3A_258 = arith.constant dense<0.000000e+00> : vector<1xf32>
    %reduce_sum3A_259 = vector.multi_reduction <add>, %reduce_sum3A_257, %reduce_sum3A_258 [1, 2] : vector<1x512x128xf32> to vector<1xf32>
    %reduce_sum3A_260 = vector.shape_cast %reduce_sum3A_259 : vector<1xf32> to vector<1x1x1xf32>
    %reduce_sum3A_261 = vector.extract %reduce_sum3A_260[0, 0, 0] : f32 from vector<1x1x1xf32>
    %add3A_262 = arith.constant 0.000000e+00 : f32
    %add3A_263 = arith.addf %add3A_262, %reduce_sum3A_261 : f32
    %slice3A_264 = vector.extract_strided_slice %get3A_100 {offsets = [0, 0, 128], sizes = [1, 512, 128], strides = [1, 1, 1]} : vector<3x512x512xf32> to vector<1x512x128xf32>
    %squeeze3A_265 = vector.shape_cast %slice3A_264 : vector<1x512x128xf32> to vector<512x128xf32>
    %mul3A_266 = arith.mulf %select_n3A_163, %squeeze3A_265 : vector<512x128xf32>
    %reduce_sum3A_267 = vector.shape_cast %mul3A_266 : vector<512x128xf32> to vector<1x512x128xf32>
    %reduce_sum3A_268 = arith.constant dense<0.000000e+00> : vector<1xf32>
    %reduce_sum3A_269 = vector.multi_reduction <add>, %reduce_sum3A_267, %reduce_sum3A_268 [1, 2] : vector<1x512x128xf32> to vector<1xf32>
    %reduce_sum3A_270 = vector.shape_cast %reduce_sum3A_269 : vector<1xf32> to vector<1x1x1xf32>
    %reduce_sum3A_271 = vector.extract %reduce_sum3A_270[0, 0, 0] : f32 from vector<1x1x1xf32>
    %add3A_272 = arith.addf %add3A_263, %reduce_sum3A_271 : f32
    %slice3A_273 = vector.extract_strided_slice %get3A_100 {offsets = [0, 0, 256], sizes = [1, 512, 128], strides = [1, 1, 1]} : vector<3x512x512xf32> to vector<1x512x128xf32>
    %squeeze3A_274 = vector.shape_cast %slice3A_273 : vector<1x512x128xf32> to vector<512x128xf32>
    %mul3A_275 = arith.mulf %select_n3A_201, %squeeze3A_274 : vector<512x128xf32>
    %reduce_sum3A_276 = vector.shape_cast %mul3A_275 : vector<512x128xf32> to vector<1x512x128xf32>
    %reduce_sum3A_277 = arith.constant dense<0.000000e+00> : vector<1xf32>
    %reduce_sum3A_278 = vector.multi_reduction <add>, %reduce_sum3A_276, %reduce_sum3A_277 [1, 2] : vector<1x512x128xf32> to vector<1xf32>
    %reduce_sum3A_279 = vector.shape_cast %reduce_sum3A_278 : vector<1xf32> to vector<1x1x1xf32>
    %reduce_sum3A_280 = vector.extract %reduce_sum3A_279[0, 0, 0] : f32 from vector<1x1x1xf32>
    %add3A_281 = arith.addf %add3A_272, %reduce_sum3A_280 : f32
    %slice3A_282 = vector.extract_strided_slice %get3A_100 {offsets = [0, 0, 384], sizes = [1, 512, 128], strides = [1, 1, 1]} : vector<3x512x512xf32> to vector<1x512x128xf32>
    %squeeze3A_283 = vector.shape_cast %slice3A_282 : vector<1x512x128xf32> to vector<512x128xf32>
    %mul3A_284 = arith.mulf %select_n3A_239, %squeeze3A_283 : vector<512x128xf32>
    %reduce_sum3A_285 = vector.shape_cast %mul3A_284 : vector<512x128xf32> to vector<1x512x128xf32>
    %reduce_sum3A_286 = arith.constant dense<0.000000e+00> : vector<1xf32>
    %reduce_sum3A_287 = vector.multi_reduction <add>, %reduce_sum3A_285, %reduce_sum3A_286 [1, 2] : vector<1x512x128xf32> to vector<1xf32>
    %reduce_sum3A_288 = vector.shape_cast %reduce_sum3A_287 : vector<1xf32> to vector<1x1x1xf32>
    %reduce_sum3A_289 = vector.extract %reduce_sum3A_288[0, 0, 0] : f32 from vector<1x1x1xf32>
    %add3A_290 = arith.addf %add3A_281, %reduce_sum3A_289 : f32
    %mul3A_291 = arith.constant 7.62951095E-5 : f32
    %mul3A_292 = arith.mulf %add3A_290, %mul3A_291 : f32
    %slice3A_293 = vector.extract_strided_slice %get3A_100 {offsets = [0, 0, 0], sizes = [1, 512, 128], strides = [1, 1, 1]} : vector<3x512x512xf32> to vector<1x512x128xf32>
    %squeeze3A_294 = vector.shape_cast %slice3A_293 : vector<1x512x128xf32> to vector<512x128xf32>
    %sub3A_295 = vector.broadcast %mul3A_292 : f32 to vector<512x128xf32>
    %sub3A_296 = arith.subf %squeeze3A_294, %sub3A_295 : vector<512x128xf32>
    %mul3A_297 = arith.mulf %sub3A_296, %div3A_139 : vector<512x128xf32>
    %add3A_298 = vector.broadcast %mul3A_292 : f32 to vector<512x128xf32>
    %add3A_299 = arith.addf %mul3A_297, %add3A_298 : vector<512x128xf32>
    %jit3A_300 = arith.constant 0.000000e+00 : f32
    %jit3A_301 = arith.constant 1.000000e+00 : f32
    %max3A_302 = vector.broadcast %jit3A_300 : f32 to vector<512x128xf32>
    %max3A_303 = arith.maximumf %max3A_302, %add3A_299 : vector<512x128xf32>
    %min3A_304 = vector.broadcast %jit3A_301 : f32 to vector<512x128xf32>
    %min3A_305 = arith.minimumf %min3A_304, %max3A_303 : vector<512x128xf32>
    %swap3A = arith.constant 0 : index
    %swap3A_306 = arith.constant 0 : index
    %swap3A_307 = arith.constant 0 : index
    %swap3A_308 = arith.constant 0 : index
    %swap3A_309 = vector.load %arg5[%swap3A, %swap3A_306, %swap3A_307, %swap3A_308] : memref<1x3x512x512xf32, #tpu.memory_space<vmem>>, vector<1x1x512x128xf32>
    %swap3A_310 = vector.shape_cast %swap3A_309 : vector<1x1x512x128xf32> to vector<512x128xf32>
    %swap3A_311 = vector.shape_cast %min3A_305 : vector<512x128xf32> to vector<1x1x512x128xf32>
    tpu.vector_store %arg5[%swap3A, %swap3A_306, %swap3A_307, %swap3A_308], %swap3A_311 {strides = array<i32>} : memref<1x3x512x512xf32, #tpu.memory_space<vmem>>, vector<1x1x512x128xf32>,
    %slice3A_312 = vector.extract_strided_slice %get3A_100 {offsets = [0, 0, 128], sizes = [1, 512, 128], strides = [1, 1, 1]} : vector<3x512x512xf32> to vector<1x512x128xf32>
    %squeeze3A_313 = vector.shape_cast %slice3A_312 : vector<1x512x128xf32> to vector<512x128xf32>
    %sub3A_314 = vector.broadcast %mul3A_292 : f32 to vector<512x128xf32>
    %sub3A_315 = arith.subf %squeeze3A_313, %sub3A_314 : vector<512x128xf32>
    %mul3A_316 = arith.mulf %sub3A_315, %div3A_177 : vector<512x128xf32>
    %add3A_317 = vector.broadcast %mul3A_292 : f32 to vector<512x128xf32>
    %add3A_318 = arith.addf %mul3A_316, %add3A_317 : vector<512x128xf32>
    %jit3A_319 = arith.constant 0.000000e+00 : f32
    %jit3A_320 = arith.constant 1.000000e+00 : f32
    %max3A_321 = vector.broadcast %jit3A_319 : f32 to vector<512x128xf32>
    %max3A_322 = arith.maximumf %max3A_321, %add3A_318 : vector<512x128xf32>
    %min3A_323 = vector.broadcast %jit3A_320 : f32 to vector<512x128xf32>
    %min3A_324 = arith.minimumf %min3A_323, %max3A_322 : vector<512x128xf32>
    %swap3A_325 = arith.constant 0 : index
    %swap3A_326 = arith.constant 0 : index
    %swap3A_327 = arith.constant 0 : index
    %swap3A_328 = arith.constant 128 : index
    %swap3A_329 = vector.load %arg5[%swap3A_325, %swap3A_326, %swap3A_327, %swap3A_328] : memref<1x3x512x512xf32, #tpu.memory_space<vmem>>, vector<1x1x512x128xf32>
    %swap3A_330 = vector.shape_cast %swap3A_329 : vector<1x1x512x128xf32> to vector<512x128xf32>
    %swap3A_331 = vector.shape_cast %min3A_324 : vector<512x128xf32> to vector<1x1x512x128xf32>
    tpu.vector_store %arg5[%swap3A_325, %swap3A_326, %swap3A_327, %swap3A_328], %swap3A_331 {strides = array<i32>} : memref<1x3x512x512xf32, #tpu.memory_space<vmem>>, vector<1x1x512x128xf32>,
    %slice3A_332 = vector.extract_strided_slice %get3A_100 {offsets = [0, 0, 256], sizes = [1, 512, 128], strides = [1, 1, 1]} : vector<3x512x512xf32> to vector<1x512x128xf32>
    %squeeze3A_333 = vector.shape_cast %slice3A_332 : vector<1x512x128xf32> to vector<512x128xf32>
    %sub3A_334 = vector.broadcast %mul3A_292 : f32 to vector<512x128xf32>
    %sub3A_335 = arith.subf %squeeze3A_333, %sub3A_334 : vector<512x128xf32>
    %mul3A_336 = arith.mulf %sub3A_335, %div3A_215 : vector<512x128xf32>
    %add3A_337 = vector.broadcast %mul3A_292 : f32 to vector<512x128xf32>
    %add3A_338 = arith.addf %mul3A_336, %add3A_337 : vector<512x128xf32>
    %jit3A_339 = arith.constant 0.000000e+00 : f32
    %jit3A_340 = arith.constant 1.000000e+00 : f32
    %max3A_341 = vector.broadcast %jit3A_339 : f32 to vector<512x128xf32>
    %max3A_342 = arith.maximumf %max3A_341, %add3A_338 : vector<512x128xf32>
    %min3A_343 = vector.broadcast %jit3A_340 : f32 to vector<512x128xf32>
    %min3A_344 = arith.minimumf %min3A_343, %max3A_342 : vector<512x128xf32>
    %swap3A_345 = arith.constant 0 : index
    %swap3A_346 = arith.constant 0 : index
    %swap3A_347 = arith.constant 0 : index
    %swap3A_348 = arith.constant 256 : index
    %swap3A_349 = vector.load %arg5[%swap3A_345, %swap3A_346, %swap3A_347, %swap3A_348] : memref<1x3x512x512xf32, #tpu.memory_space<vmem>>, vector<1x1x512x128xf32>
    %swap3A_350 = vector.shape_cast %swap3A_349 : vector<1x1x512x128xf32> to vector<512x128xf32>
    %swap3A_351 = vector.shape_cast %min3A_344 : vector<512x128xf32> to vector<1x1x512x128xf32>
    tpu.vector_store %arg5[%swap3A_345, %swap3A_346, %swap3A_347, %swap3A_348], %swap3A_351 {strides = array<i32>} : memref<1x3x512x512xf32, #tpu.memory_space<vmem>>, vector<1x1x512x128xf32>,
    %slice3A_352 = vector.extract_strided_slice %get3A_100 {offsets = [0, 0, 384], sizes = [1, 512, 128], strides = [1, 1, 1]} : vector<3x512x512xf32> to vector<1x512x128xf32>
    %squeeze3A_353 = vector.shape_cast %slice3A_352 : vector<1x512x128xf32> to vector<512x128xf32>
    %sub3A_354 = vector.broadcast %mul3A_292 : f32 to vector<512x128xf32>
    %sub3A_355 = arith.subf %squeeze3A_353, %sub3A_354 : vector<512x128xf32>
    %mul3A_356 = arith.mulf %sub3A_355, %div3A_253 : vector<512x128xf32>
    %add3A_357 = vector.broadcast %mul3A_292 : f32 to vector<512x128xf32>
    %add3A_358 = arith.addf %mul3A_356, %add3A_357 : vector<512x128xf32>
    %jit3A_359 = arith.constant 0.000000e+00 : f32
    %jit3A_360 = arith.constant 1.000000e+00 : f32
    %max3A_361 = vector.broadcast %jit3A_359 : f32 to vector<512x128xf32>
    %max3A_362 = arith.maximumf %max3A_361, %add3A_358 : vector<512x128xf32>
    %min3A_363 = vector.broadcast %jit3A_360 : f32 to vector<512x128xf32>
    %min3A_364 = arith.minimumf %min3A_363, %max3A_362 : vector<512x128xf32>
    %swap3A_365 = arith.constant 0 : index
    %swap3A_366 = arith.constant 0 : index
    %swap3A_367 = arith.constant 0 : index
    %swap3A_368 = arith.constant 384 : index
    %swap3A_369 = vector.load %arg5[%swap3A_365, %swap3A_366, %swap3A_367, %swap3A_368] : memref<1x3x512x512xf32, #tpu.memory_space<vmem>>, vector<1x1x512x128xf32>
    %swap3A_370 = vector.shape_cast %swap3A_369 : vector<1x1x512x128xf32> to vector<512x128xf32>
    %swap3A_371 = vector.shape_cast %min3A_364 : vector<512x128xf32> to vector<1x1x512x128xf32>
    tpu.vector_store %arg5[%swap3A_365, %swap3A_366, %swap3A_367, %swap3A_368], %swap3A_371 {strides = array<i32>} : memref<1x3x512x512xf32, #tpu.memory_space<vmem>>, vector<1x1x512x128xf32>,
    %slice3A_372 = vector.extract_strided_slice %get3A_100 {offsets = [1, 0, 0], sizes = [1, 512, 128], strides = [1, 1, 1]} : vector<3x512x512xf32> to vector<1x512x128xf32>
    %squeeze3A_373 = vector.shape_cast %slice3A_372 : vector<1x512x128xf32> to vector<512x128xf32>
    %mul3A_374 = arith.mulf %select_n3A_125, %squeeze3A_373 : vector<512x128xf32>
    %reduce_sum3A_375 = vector.shape_cast %mul3A_374 : vector<512x128xf32> to vector<1x512x128xf32>
    %reduce_sum3A_376 = arith.constant dense<0.000000e+00> : vector<1xf32>
    %reduce_sum3A_377 = vector.multi_reduction <add>, %reduce_sum3A_375, %reduce_sum3A_376 [1, 2] : vector<1x512x128xf32> to vector<1xf32>
    %reduce_sum3A_378 = vector.shape_cast %reduce_sum3A_377 : vector<1xf32> to vector<1x1x1xf32>
    %reduce_sum3A_379 = vector.extract %reduce_sum3A_378[0, 0, 0] : f32 from vector<1x1x1xf32>
    %add3A_380 = arith.constant 0.000000e+00 : f32
    %add3A_381 = arith.addf %add3A_380, %reduce_sum3A_379 : f32
    %slice3A_382 = vector.extract_strided_slice %get3A_100 {offsets = [1, 0, 128], sizes = [1, 512, 128], strides = [1, 1, 1]} : vector<3x512x512xf32> to vector<1x512x128xf32>
    %squeeze3A_383 = vector.shape_cast %slice3A_382 : vector<1x512x128xf32> to vector<512x128xf32>
    %mul3A_384 = arith.mulf %select_n3A_163, %squeeze3A_383 : vector<512x128xf32>
    %reduce_sum3A_385 = vector.shape_cast %mul3A_384 : vector<512x128xf32> to vector<1x512x128xf32>
    %reduce_sum3A_386 = arith.constant dense<0.000000e+00> : vector<1xf32>
    %reduce_sum3A_387 = vector.multi_reduction <add>, %reduce_sum3A_385, %reduce_sum3A_386 [1, 2] : vector<1x512x128xf32> to vector<1xf32>
    %reduce_sum3A_388 = vector.shape_cast %reduce_sum3A_387 : vector<1xf32> to vector<1x1x1xf32>
    %reduce_sum3A_389 = vector.extract %reduce_sum3A_388[0, 0, 0] : f32 from vector<1x1x1xf32>
    %add3A_390 = arith.addf %add3A_381, %reduce_sum3A_389 : f32
    %slice3A_391 = vector.extract_strided_slice %get3A_100 {offsets = [1, 0, 256], sizes = [1, 512, 128], strides = [1, 1, 1]} : vector<3x512x512xf32> to vector<1x512x128xf32>
    %squeeze3A_392 = vector.shape_cast %slice3A_391 : vector<1x512x128xf32> to vector<512x128xf32>
    %mul3A_393 = arith.mulf %select_n3A_201, %squeeze3A_392 : vector<512x128xf32>
    %reduce_sum3A_394 = vector.shape_cast %mul3A_393 : vector<512x128xf32> to vector<1x512x128xf32>
    %reduce_sum3A_395 = arith.constant dense<0.000000e+00> : vector<1xf32>
    %reduce_sum3A_396 = vector.multi_reduction <add>, %reduce_sum3A_394, %reduce_sum3A_395 [1, 2] : vector<1x512x128xf32> to vector<1xf32>
    %reduce_sum3A_397 = vector.shape_cast %reduce_sum3A_396 : vector<1xf32> to vector<1x1x1xf32>
    %reduce_sum3A_398 = vector.extract %reduce_sum3A_397[0, 0, 0] : f32 from vector<1x1x1xf32>
    %add3A_399 = arith.addf %add3A_390, %reduce_sum3A_398 : f32
    %slice3A_400 = vector.extract_strided_slice %get3A_100 {offsets = [1, 0, 384], sizes = [1, 512, 128], strides = [1, 1, 1]} : vector<3x512x512xf32> to vector<1x512x128xf32>
    %squeeze3A_401 = vector.shape_cast %slice3A_400 : vector<1x512x128xf32> to vector<512x128xf32>
    %mul3A_402 = arith.mulf %select_n3A_239, %squeeze3A_401 : vector<512x128xf32>
    %reduce_sum3A_403 = vector.shape_cast %mul3A_402 : vector<512x128xf32> to vector<1x512x128xf32>
    %reduce_sum3A_404 = arith.constant dense<0.000000e+00> : vector<1xf32>
    %reduce_sum3A_405 = vector.multi_reduction <add>, %reduce_sum3A_403, %reduce_sum3A_404 [1, 2] : vector<1x512x128xf32> to vector<1xf32>
    %reduce_sum3A_406 = vector.shape_cast %reduce_sum3A_405 : vector<1xf32> to vector<1x1x1xf32>
    %reduce_sum3A_407 = vector.extract %reduce_sum3A_406[0, 0, 0] : f32 from vector<1x1x1xf32>
    %add3A_408 = arith.addf %add3A_399, %reduce_sum3A_407 : f32
    %mul3A_409 = arith.constant 7.62951095E-5 : f32
    %mul3A_410 = arith.mulf %add3A_408, %mul3A_409 : f32
    %slice3A_411 = vector.extract_strided_slice %get3A_100 {offsets = [1, 0, 0], sizes = [1, 512, 128], strides = [1, 1, 1]} : vector<3x512x512xf32> to vector<1x512x128xf32>
    %squeeze3A_412 = vector.shape_cast %slice3A_411 : vector<1x512x128xf32> to vector<512x128xf32>
    %sub3A_413 = vector.broadcast %mul3A_410 : f32 to vector<512x128xf32>
    %sub3A_414 = arith.subf %squeeze3A_412, %sub3A_413 : vector<512x128xf32>
    %mul3A_415 = arith.mulf %sub3A_414, %div3A_139 : vector<512x128xf32>
    %add3A_416 = vector.broadcast %mul3A_410 : f32 to vector<512x128xf32>
    %add3A_417 = arith.addf %mul3A_415, %add3A_416 : vector<512x128xf32>
    %jit3A_418 = arith.constant 0.000000e+00 : f32
    %jit3A_419 = arith.constant 1.000000e+00 : f32
    %max3A_420 = vector.broadcast %jit3A_418 : f32 to vector<512x128xf32>
    %max3A_421 = arith.maximumf %max3A_420, %add3A_417 : vector<512x128xf32>
    %min3A_422 = vector.broadcast %jit3A_419 : f32 to vector<512x128xf32>
    %min3A_423 = arith.minimumf %min3A_422, %max3A_421 : vector<512x128xf32>
    %swap3A_424 = arith.constant 0 : index
    %swap3A_425 = arith.constant 1 : index
    %swap3A_426 = arith.constant 0 : index
    %swap3A_427 = arith.constant 0 : index
    %swap3A_428 = vector.load %arg5[%swap3A_424, %swap3A_425, %swap3A_426, %swap3A_427] : memref<1x3x512x512xf32, #tpu.memory_space<vmem>>, vector<1x1x512x128xf32>
    %swap3A_429 = vector.shape_cast %swap3A_428 : vector<1x1x512x128xf32> to vector<512x128xf32>
    %swap3A_430 = vector.shape_cast %min3A_423 : vector<512x128xf32> to vector<1x1x512x128xf32>
    tpu.vector_store %arg5[%swap3A_424, %swap3A_425, %swap3A_426, %swap3A_427], %swap3A_430 {strides = array<i32>} : memref<1x3x512x512xf32, #tpu.memory_space<vmem>>, vector<1x1x512x128xf32>,
    %slice3A_431 = vector.extract_strided_slice %get3A_100 {offsets = [1, 0, 128], sizes = [1, 512, 128], strides = [1, 1, 1]} : vector<3x512x512xf32> to vector<1x512x128xf32>
    %squeeze3A_432 = vector.shape_cast %slice3A_431 : vector<1x512x128xf32> to vector<512x128xf32>
    %sub3A_433 = vector.broadcast %mul3A_410 : f32 to vector<512x128xf32>
    %sub3A_434 = arith.subf %squeeze3A_432, %sub3A_433 : vector<512x128xf32>
    %mul3A_435 = arith.mulf %sub3A_434, %div3A_177 : vector<512x128xf32>
    %add3A_436 = vector.broadcast %mul3A_410 : f32 to vector<512x128xf32>
    %add3A_437 = arith.addf %mul3A_435, %add3A_436 : vector<512x128xf32>
    %jit3A_438 = arith.constant 0.000000e+00 : f32
    %jit3A_439 = arith.constant 1.000000e+00 : f32
    %max3A_440 = vector.broadcast %jit3A_438 : f32 to vector<512x128xf32>
    %max3A_441 = arith.maximumf %max3A_440, %add3A_437 : vector<512x128xf32>
    %min3A_442 = vector.broadcast %jit3A_439 : f32 to vector<512x128xf32>
    %min3A_443 = arith.minimumf %min3A_442, %max3A_441 : vector<512x128xf32>
    %swap3A_444 = arith.constant 0 : index
    %swap3A_445 = arith.constant 1 : index
    %swap3A_446 = arith.constant 0 : index
    %swap3A_447 = arith.constant 128 : index
    %swap3A_448 = vector.load %arg5[%swap3A_444, %swap3A_445, %swap3A_446, %swap3A_447] : memref<1x3x512x512xf32, #tpu.memory_space<vmem>>, vector<1x1x512x128xf32>
    %swap3A_449 = vector.shape_cast %swap3A_448 : vector<1x1x512x128xf32> to vector<512x128xf32>
    %swap3A_450 = vector.shape_cast %min3A_443 : vector<512x128xf32> to vector<1x1x512x128xf32>
    tpu.vector_store %arg5[%swap3A_444, %swap3A_445, %swap3A_446, %swap3A_447], %swap3A_450 {strides = array<i32>} : memref<1x3x512x512xf32, #tpu.memory_space<vmem>>, vector<1x1x512x128xf32>,
    %slice3A_451 = vector.extract_strided_slice %get3A_100 {offsets = [1, 0, 256], sizes = [1, 512, 128], strides = [1, 1, 1]} : vector<3x512x512xf32> to vector<1x512x128xf32>
    %squeeze3A_452 = vector.shape_cast %slice3A_451 : vector<1x512x128xf32> to vector<512x128xf32>
    %sub3A_453 = vector.broadcast %mul3A_410 : f32 to vector<512x128xf32>
    %sub3A_454 = arith.subf %squeeze3A_452, %sub3A_453 : vector<512x128xf32>
    %mul3A_455 = arith.mulf %sub3A_454, %div3A_215 : vector<512x128xf32>
    %add3A_456 = vector.broadcast %mul3A_410 : f32 to vector<512x128xf32>
    %add3A_457 = arith.addf %mul3A_455, %add3A_456 : vector<512x128xf32>
    %jit3A_458 = arith.constant 0.000000e+00 : f32
    %jit3A_459 = arith.constant 1.000000e+00 : f32
    %max3A_460 = vector.broadcast %jit3A_458 : f32 to vector<512x128xf32>
    %max3A_461 = arith.maximumf %max3A_460, %add3A_457 : vector<512x128xf32>
    %min3A_462 = vector.broadcast %jit3A_459 : f32 to vector<512x128xf32>
    %min3A_463 = arith.minimumf %min3A_462, %max3A_461 : vector<512x128xf32>
    %swap3A_464 = arith.constant 0 : index
    %swap3A_465 = arith.constant 1 : index
    %swap3A_466 = arith.constant 0 : index
    %swap3A_467 = arith.constant 256 : index
    %swap3A_468 = vector.load %arg5[%swap3A_464, %swap3A_465, %swap3A_466, %swap3A_467] : memref<1x3x512x512xf32, #tpu.memory_space<vmem>>, vector<1x1x512x128xf32>
    %swap3A_469 = vector.shape_cast %swap3A_468 : vector<1x1x512x128xf32> to vector<512x128xf32>
    %swap3A_470 = vector.shape_cast %min3A_463 : vector<512x128xf32> to vector<1x1x512x128xf32>
    tpu.vector_store %arg5[%swap3A_464, %swap3A_465, %swap3A_466, %swap3A_467], %swap3A_470 {strides = array<i32>} : memref<1x3x512x512xf32, #tpu.memory_space<vmem>>, vector<1x1x512x128xf32>,
    %slice3A_471 = vector.extract_strided_slice %get3A_100 {offsets = [1, 0, 384], sizes = [1, 512, 128], strides = [1, 1, 1]} : vector<3x512x512xf32> to vector<1x512x128xf32>
    %squeeze3A_472 = vector.shape_cast %slice3A_471 : vector<1x512x128xf32> to vector<512x128xf32>
    %sub3A_473 = vector.broadcast %mul3A_410 : f32 to vector<512x128xf32>
    %sub3A_474 = arith.subf %squeeze3A_472, %sub3A_473 : vector<512x128xf32>
    %mul3A_475 = arith.mulf %sub3A_474, %div3A_253 : vector<512x128xf32>
    %add3A_476 = vector.broadcast %mul3A_410 : f32 to vector<512x128xf32>
    %add3A_477 = arith.addf %mul3A_475, %add3A_476 : vector<512x128xf32>
    %jit3A_478 = arith.constant 0.000000e+00 : f32
    %jit3A_479 = arith.constant 1.000000e+00 : f32
    %max3A_480 = vector.broadcast %jit3A_478 : f32 to vector<512x128xf32>
    %max3A_481 = arith.maximumf %max3A_480, %add3A_477 : vector<512x128xf32>
    %min3A_482 = vector.broadcast %jit3A_479 : f32 to vector<512x128xf32>
    %min3A_483 = arith.minimumf %min3A_482, %max3A_481 : vector<512x128xf32>
    %swap3A_484 = arith.constant 0 : index
    %swap3A_485 = arith.constant 1 : index
    %swap3A_486 = arith.constant 0 : index
    %swap3A_487 = arith.constant 384 : index
    %swap3A_488 = vector.load %arg5[%swap3A_484, %swap3A_485, %swap3A_486, %swap3A_487] : memref<1x3x512x512xf32, #tpu.memory_space<vmem>>, vector<1x1x512x128xf32>
    %swap3A_489 = vector.shape_cast %swap3A_488 : vector<1x1x512x128xf32> to vector<512x128xf32>
    %swap3A_490 = vector.shape_cast %min3A_483 : vector<512x128xf32> to vector<1x1x512x128xf32>
    tpu.vector_store %arg5[%swap3A_484, %swap3A_485, %swap3A_486, %swap3A_487], %swap3A_490 {strides = array<i32>} : memref<1x3x512x512xf32, #tpu.memory_space<vmem>>, vector<1x1x512x128xf32>,
    %slice3A_491 = vector.extract_strided_slice %get3A_100 {offsets = [2, 0, 0], sizes = [1, 512, 128], strides = [1, 1, 1]} : vector<3x512x512xf32> to vector<1x512x128xf32>
    %squeeze3A_492 = vector.shape_cast %slice3A_491 : vector<1x512x128xf32> to vector<512x128xf32>
    %mul3A_493 = arith.mulf %select_n3A_125, %squeeze3A_492 : vector<512x128xf32>
    %reduce_sum3A_494 = vector.shape_cast %mul3A_493 : vector<512x128xf32> to vector<1x512x128xf32>
    %reduce_sum3A_495 = arith.constant dense<0.000000e+00> : vector<1xf32>
    %reduce_sum3A_496 = vector.multi_reduction <add>, %reduce_sum3A_494, %reduce_sum3A_495 [1, 2] : vector<1x512x128xf32> to vector<1xf32>
    %reduce_sum3A_497 = vector.shape_cast %reduce_sum3A_496 : vector<1xf32> to vector<1x1x1xf32>
    %reduce_sum3A_498 = vector.extract %reduce_sum3A_497[0, 0, 0] : f32 from vector<1x1x1xf32>
    %add3A_499 = arith.constant 0.000000e+00 : f32
    %add3A_500 = arith.addf %add3A_499, %reduce_sum3A_498 : f32
    %slice3A_501 = vector.extract_strided_slice %get3A_100 {offsets = [2, 0, 128], sizes = [1, 512, 128], strides = [1, 1, 1]} : vector<3x512x512xf32> to vector<1x512x128xf32>
    %squeeze3A_502 = vector.shape_cast %slice3A_501 : vector<1x512x128xf32> to vector<512x128xf32>
    %mul3A_503 = arith.mulf %select_n3A_163, %squeeze3A_502 : vector<512x128xf32>
    %reduce_sum3A_504 = vector.shape_cast %mul3A_503 : vector<512x128xf32> to vector<1x512x128xf32>
    %reduce_sum3A_505 = arith.constant dense<0.000000e+00> : vector<1xf32>
    %reduce_sum3A_506 = vector.multi_reduction <add>, %reduce_sum3A_504, %reduce_sum3A_505 [1, 2] : vector<1x512x128xf32> to vector<1xf32>
    %reduce_sum3A_507 = vector.shape_cast %reduce_sum3A_506 : vector<1xf32> to vector<1x1x1xf32>
    %reduce_sum3A_508 = vector.extract %reduce_sum3A_507[0, 0, 0] : f32 from vector<1x1x1xf32>
    %add3A_509 = arith.addf %add3A_500, %reduce_sum3A_508 : f32
    %slice3A_510 = vector.extract_strided_slice %get3A_100 {offsets = [2, 0, 256], sizes = [1, 512, 128], strides = [1, 1, 1]} : vector<3x512x512xf32> to vector<1x512x128xf32>
    %squeeze3A_511 = vector.shape_cast %slice3A_510 : vector<1x512x128xf32> to vector<512x128xf32>
    %mul3A_512 = arith.mulf %select_n3A_201, %squeeze3A_511 : vector<512x128xf32>
    %reduce_sum3A_513 = vector.shape_cast %mul3A_512 : vector<512x128xf32> to vector<1x512x128xf32>
    %reduce_sum3A_514 = arith.constant dense<0.000000e+00> : vector<1xf32>
    %reduce_sum3A_515 = vector.multi_reduction <add>, %reduce_sum3A_513, %reduce_sum3A_514 [1, 2] : vector<1x512x128xf32> to vector<1xf32>
    %reduce_sum3A_516 = vector.shape_cast %reduce_sum3A_515 : vector<1xf32> to vector<1x1x1xf32>
    %reduce_sum3A_517 = vector.extract %reduce_sum3A_516[0, 0, 0] : f32 from vector<1x1x1xf32>
    %add3A_518 = arith.addf %add3A_509, %reduce_sum3A_517 : f32
    %slice3A_519 = vector.extract_strided_slice %get3A_100 {offsets = [2, 0, 384], sizes = [1, 512, 128], strides = [1, 1, 1]} : vector<3x512x512xf32> to vector<1x512x128xf32>
    %squeeze3A_520 = vector.shape_cast %slice3A_519 : vector<1x512x128xf32> to vector<512x128xf32>
    %mul3A_521 = arith.mulf %select_n3A_239, %squeeze3A_520 : vector<512x128xf32>
    %reduce_sum3A_522 = vector.shape_cast %mul3A_521 : vector<512x128xf32> to vector<1x512x128xf32>
    %reduce_sum3A_523 = arith.constant dense<0.000000e+00> : vector<1xf32>
    %reduce_sum3A_524 = vector.multi_reduction <add>, %reduce_sum3A_522, %reduce_sum3A_523 [1, 2] : vector<1x512x128xf32> to vector<1xf32>
    %reduce_sum3A_525 = vector.shape_cast %reduce_sum3A_524 : vector<1xf32> to vector<1x1x1xf32>
    %reduce_sum3A_526 = vector.extract %reduce_sum3A_525[0, 0, 0] : f32 from vector<1x1x1xf32>
    %add3A_527 = arith.addf %add3A_518, %reduce_sum3A_526 : f32
    %mul3A_528 = arith.constant 7.62951095E-5 : f32
    %mul3A_529 = arith.mulf %add3A_527, %mul3A_528 : f32
    %slice3A_530 = vector.extract_strided_slice %get3A_100 {offsets = [2, 0, 0], sizes = [1, 512, 128], strides = [1, 1, 1]} : vector<3x512x512xf32> to vector<1x512x128xf32>
    %squeeze3A_531 = vector.shape_cast %slice3A_530 : vector<1x512x128xf32> to vector<512x128xf32>
    %sub3A_532 = vector.broadcast %mul3A_529 : f32 to vector<512x128xf32>
    %sub3A_533 = arith.subf %squeeze3A_531, %sub3A_532 : vector<512x128xf32>
    %mul3A_534 = arith.mulf %sub3A_533, %div3A_139 : vector<512x128xf32>
    %add3A_535 = vector.broadcast %mul3A_529 : f32 to vector<512x128xf32>
    %add3A_536 = arith.addf %mul3A_534, %add3A_535 : vector<512x128xf32>
    %jit3A_537 = arith.constant 0.000000e+00 : f32
    %jit3A_538 = arith.constant 1.000000e+00 : f32
    %max3A_539 = vector.broadcast %jit3A_537 : f32 to vector<512x128xf32>
    %max3A_540 = arith.maximumf %max3A_539, %add3A_536 : vector<512x128xf32>
    %min3A_541 = vector.broadcast %jit3A_538 : f32 to vector<512x128xf32>
    %min3A_542 = arith.minimumf %min3A_541, %max3A_540 : vector<512x128xf32>
    %swap3A_543 = arith.constant 0 : index
    %swap3A_544 = arith.constant 2 : index
    %swap3A_545 = arith.constant 0 : index
    %swap3A_546 = arith.constant 0 : index
    %swap3A_547 = vector.load %arg5[%swap3A_543, %swap3A_544, %swap3A_545, %swap3A_546] : memref<1x3x512x512xf32, #tpu.memory_space<vmem>>, vector<1x1x512x128xf32>
    %swap3A_548 = vector.shape_cast %swap3A_547 : vector<1x1x512x128xf32> to vector<512x128xf32>
    %swap3A_549 = vector.shape_cast %min3A_542 : vector<512x128xf32> to vector<1x1x512x128xf32>
    tpu.vector_store %arg5[%swap3A_543, %swap3A_544, %swap3A_545, %swap3A_546], %swap3A_549 {strides = array<i32>} : memref<1x3x512x512xf32, #tpu.memory_space<vmem>>, vector<1x1x512x128xf32>,
    %slice3A_550 = vector.extract_strided_slice %get3A_100 {offsets = [2, 0, 128], sizes = [1, 512, 128], strides = [1, 1, 1]} : vector<3x512x512xf32> to vector<1x512x128xf32>
    %squeeze3A_551 = vector.shape_cast %slice3A_550 : vector<1x512x128xf32> to vector<512x128xf32>
    %sub3A_552 = vector.broadcast %mul3A_529 : f32 to vector<512x128xf32>
    %sub3A_553 = arith.subf %squeeze3A_551, %sub3A_552 : vector<512x128xf32>
    %mul3A_554 = arith.mulf %sub3A_553, %div3A_177 : vector<512x128xf32>
    %add3A_555 = vector.broadcast %mul3A_529 : f32 to vector<512x128xf32>
    %add3A_556 = arith.addf %mul3A_554, %add3A_555 : vector<512x128xf32>
    %jit3A_557 = arith.constant 0.000000e+00 : f32
    %jit3A_558 = arith.constant 1.000000e+00 : f32
    %max3A_559 = vector.broadcast %jit3A_557 : f32 to vector<512x128xf32>
    %max3A_560 = arith.maximumf %max3A_559, %add3A_556 : vector<512x128xf32>
    %min3A_561 = vector.broadcast %jit3A_558 : f32 to vector<512x128xf32>
    %min3A_562 = arith.minimumf %min3A_561, %max3A_560 : vector<512x128xf32>
    %swap3A_563 = arith.constant 0 : index
    %swap3A_564 = arith.constant 2 : index
    %swap3A_565 = arith.constant 0 : index
    %swap3A_566 = arith.constant 128 : index
    %swap3A_567 = vector.load %arg5[%swap3A_563, %swap3A_564, %swap3A_565, %swap3A_566] : memref<1x3x512x512xf32, #tpu.memory_space<vmem>>, vector<1x1x512x128xf32>
    %swap3A_568 = vector.shape_cast %swap3A_567 : vector<1x1x512x128xf32> to vector<512x128xf32>
    %swap3A_569 = vector.shape_cast %min3A_562 : vector<512x128xf32> to vector<1x1x512x128xf32>
    tpu.vector_store %arg5[%swap3A_563, %swap3A_564, %swap3A_565, %swap3A_566], %swap3A_569 {strides = array<i32>} : memref<1x3x512x512xf32, #tpu.memory_space<vmem>>, vector<1x1x512x128xf32>,
    %slice3A_570 = vector.extract_strided_slice %get3A_100 {offsets = [2, 0, 256], sizes = [1, 512, 128], strides = [1, 1, 1]} : vector<3x512x512xf32> to vector<1x512x128xf32>
    %squeeze3A_571 = vector.shape_cast %slice3A_570 : vector<1x512x128xf32> to vector<512x128xf32>
    %sub3A_572 = vector.broadcast %mul3A_529 : f32 to vector<512x128xf32>
    %sub3A_573 = arith.subf %squeeze3A_571, %sub3A_572 : vector<512x128xf32>
    %mul3A_574 = arith.mulf %sub3A_573, %div3A_215 : vector<512x128xf32>
    %add3A_575 = vector.broadcast %mul3A_529 : f32 to vector<512x128xf32>
    %add3A_576 = arith.addf %mul3A_574, %add3A_575 : vector<512x128xf32>
    %jit3A_577 = arith.constant 0.000000e+00 : f32
    %jit3A_578 = arith.constant 1.000000e+00 : f32
    %max3A_579 = vector.broadcast %jit3A_577 : f32 to vector<512x128xf32>
    %max3A_580 = arith.maximumf %max3A_579, %add3A_576 : vector<512x128xf32>
    %min3A_581 = vector.broadcast %jit3A_578 : f32 to vector<512x128xf32>
    %min3A_582 = arith.minimumf %min3A_581, %max3A_580 : vector<512x128xf32>
    %swap3A_583 = arith.constant 0 : index
    %swap3A_584 = arith.constant 2 : index
    %swap3A_585 = arith.constant 0 : index
    %swap3A_586 = arith.constant 256 : index
    %swap3A_587 = vector.load %arg5[%swap3A_583, %swap3A_584, %swap3A_585, %swap3A_586] : memref<1x3x512x512xf32, #tpu.memory_space<vmem>>, vector<1x1x512x128xf32>
    %swap3A_588 = vector.shape_cast %swap3A_587 : vector<1x1x512x128xf32> to vector<512x128xf32>
    %swap3A_589 = vector.shape_cast %min3A_582 : vector<512x128xf32> to vector<1x1x512x128xf32>
    tpu.vector_store %arg5[%swap3A_583, %swap3A_584, %swap3A_585, %swap3A_586], %swap3A_589 {strides = array<i32>} : memref<1x3x512x512xf32, #tpu.memory_space<vmem>>, vector<1x1x512x128xf32>,
    %slice3A_590 = vector.extract_strided_slice %get3A_100 {offsets = [2, 0, 384], sizes = [1, 512, 128], strides = [1, 1, 1]} : vector<3x512x512xf32> to vector<1x512x128xf32>
    %squeeze3A_591 = vector.shape_cast %slice3A_590 : vector<1x512x128xf32> to vector<512x128xf32>
    %sub3A_592 = vector.broadcast %mul3A_529 : f32 to vector<512x128xf32>
    %sub3A_593 = arith.subf %squeeze3A_591, %sub3A_592 : vector<512x128xf32>
    %mul3A_594 = arith.mulf %sub3A_593, %div3A_253 : vector<512x128xf32>
    %add3A_595 = vector.broadcast %mul3A_529 : f32 to vector<512x128xf32>
    %add3A_596 = arith.addf %mul3A_594, %add3A_595 : vector<512x128xf32>
    %jit3A_597 = arith.constant 0.000000e+00 : f32
    %jit3A_598 = arith.constant 1.000000e+00 : f32
    %max3A_599 = vector.broadcast %jit3A_597 : f32 to vector<512x128xf32>
    %max3A_600 = arith.maximumf %max3A_599, %add3A_596 : vector<512x128xf32>
    %min3A_601 = vector.broadcast %jit3A_598 : f32 to vector<512x128xf32>
    %min3A_602 = arith.minimumf %min3A_601, %max3A_600 : vector<512x128xf32>
    %swap3A_603 = arith.constant 0 : index
    %swap3A_604 = arith.constant 2 : index
    %swap3A_605 = arith.constant 0 : index
    %swap3A_606 = arith.constant 384 : index
    %swap3A_607 = vector.load %arg5[%swap3A_603, %swap3A_604, %swap3A_605, %swap3A_606] : memref<1x3x512x512xf32, #tpu.memory_space<vmem>>, vector<1x1x512x128xf32>
    %swap3A_608 = vector.shape_cast %swap3A_607 : vector<1x1x512x128xf32> to vector<512x128xf32>
    %swap3A_609 = vector.shape_cast %min3A_602 : vector<512x128xf32> to vector<1x1x512x128xf32>
    tpu.vector_store %arg5[%swap3A_603, %swap3A_604, %swap3A_605, %swap3A_606], %swap3A_609 {strides = array<i32>} : memref<1x3x512x512xf32, #tpu.memory_space<vmem>>, vector<1x1x512x128xf32>,
    return
  }
  func.func @transform_0(%arg0: i32) -> i32 {
    %c0_i32 = arith.constant 0 : i32
    %c0_i32_0 = arith.constant 0 : i32
    return %c0_i32 : i32
  }
  func.func @transform_1(%arg0: i32) -> (i32, i32, i32) {
    %c0_i32 = arith.constant 0 : i32
    %c0_i32_0 = arith.constant 0 : i32
    %c0_i32_1 = arith.constant 0 : i32
    return %arg0, %c0_i32, %c0_i32_0 : i32, i32, i32
  }
  func.func @transform_2(%arg0: i32) -> (i32, i32, i32, i32) {
    %c0_i32 = arith.constant 0 : i32
    %c0_i32_0 = arith.constant 0 : i32
    %c0_i32_1 = arith.constant 0 : i32
    %c0_i32_2 = arith.constant 0 : i32
    return %arg0, %c0_i32, %c0_i32_0, %c0_i32_1 : i32, i32, i32, i32
  }
  func.func @transform_3(%arg0: i32) -> (i32, i32, i32, i32) {
    %c0_i32 = arith.constant 0 : i32
    %c0_i32_0 = arith.constant 0 : i32
    %c0_i32_1 = arith.constant 0 : i32
    %c0_i32_2 = arith.constant 0 : i32
    return %arg0, %c0_i32, %c0_i32_0, %c0_i32_1 : i32, i32, i32, i32
  }
  func.func @transform_4(%arg0: i32) -> (i32, i32, i32, i32) {
    %c0_i32 = arith.constant 0 : i32
    %c0_i32_0 = arith.constant 0 : i32
    %c0_i32_1 = arith.constant 0 : i32
    %c0_i32_2 = arith.constant 0 : i32
    return %arg0, %c0_i32, %c0_i32_0, %c0_i32_1 : i32, i32, i32, i32
  }
}

</mosaic_0001>

<sc_bundles>
// kernel: kernel.5.cloned.1.call-start
scs
__scs_entry_jumppad:
0x0: {  	(pc) =	sbr.rel $0x88, $3  }
0x1: {  	(tag) =	ssettag $0x0;
	lr =	simm.s32 $0x1  }
0x2: {  	[smem:$0x3F9F] =	sst lr;
	_ =	strace $0xD0000000  }
0x3: {  	_ = 	snop  }
0x4: {  	_ = 	snop  }
0x5: {  	_ = 	snop  }
0x6: {  	_ = 	snop  }
0x7: {  	_ = 	snop  }
__scs_overlays_trampoline_lowered:
0x8: {  	[smem:$0x3FAE] =	sst s0  }
0x9: {  	[smem:$0x3FAF] =	sst s1  }
0xa: {  	[smem:$0x3FB0] =	sst s2  }
0xb: {  	[smem:$0x3FB1] =	sst s3  }
0xc: {  	[smem:$0x3FB2] =	sst s4  }
0xd: {  	[smem:$0x3FB3] =	sst s5  }
0xe: {  	[smem:$0x3FB4] =	sst s6  }
0xf: {  	[smem:$0x3FB5] =	sst s7  }
0x10: {  	[smem:$0x3FB6] =	sst s8  }
0x11: {  	[smem:$0x3FB7] =	sst s9;
	s0 =	simm.s32 @!p0 $0x0  }
0x12: {  	s1 =	sld [smem:$0x3F9D];
	s0 =	simm.s32 @p0 $0x1  }
0x13: {  	[smem:$0x3FB8] =	sst s0;
	s0 =	simm.s32 @!p1 $0x0  }
0x14: {  	s2 =	sld [smem:$0x3F9C];
	s0 =	simm.s32 @p1 $0x1  }
0x15: {  	[smem:$0x3FB9] =	sst s0;
	s0 =	simm.s32 @!p2 $0x0  }
0x16: {  	s3 =	sld [smem:$0x3FDB];
	s0 =	simm.s32 @p2 $0x1  }
0x17: {  	s4 =	simm.s32 $0x1BF5;
	[smem:$0x3FBB] =	sst s0  }
0x18: {  	s0 =	sld [smem:$0x3F9E];
	_ =	swait.ge [sflag:s4], $0x0  }
0x19: {  	s7 =	sld [smem:$0x3F9F]  }
0x1a: {  	s8 =	sadd.s32 $0xFFFFE003, lr  }
0x1b: {  	s9 =	sadd.s32 $0xFFFFFEF7, lr;
	s5 =	simm.s32 $0xFFFFFFFF;
	p2 =	slt.u32 s8, $0xFFFFF086  }
0x1c: {  	p1 =	slt.u32 s9, $0xF7A;
	s5 =	simm.s32 @!p2 $0x0  }
0x1d: {  	s5 =	simm.s32 @p1 $0x1;
	p0 =	seq.s32 s7, s2  }
0x1e: {  	s7 =	smul.u32 @!p0 $0xF7A, s2;
	p2 =	seq.s32 @!p0 s5, $0x0  }
0x1f: {  	s9 =	smul.u32 $0xF7A, s1;
	s8 =	simm.s32 @!p0 $0x1BF5;
	p2 =	por !p2, p0  }
0x20: {  	[sflag:s8] =	ssyncset.s32 @!p0 $0xFFFFF086;
	s6 =	sadd.s32 @!p0 s3, s7;
	s7 =	simm.s32 @!p0 $0x108  }
0x21: {  	s3 =	sadd.s32 s3, s9;
	s6 =	sadd.s32 @!p0 $0x88, s6;
	s7 =	simm.s32 @p2 $0x1082  }
0x22: {  	[simem:s7], [sflag:s8] =	dma.local @!p0 [hbm:s6], $0xF7A  }
0x23: {  	s9 =	sor.u32 $0xD0000000, s2;
	s6 =	simm.s32 $0x108;
	_ =	swait.ge @!p0 [sflag:s8], $0x0  }
0x24: {  	s3 =	sadd.s32 $0x88, s3;
	s6 =	simm.s32 @!p1 $0x1082;
	[sflag:s4] =	ssyncset.s32 $0xFFFFF086  }
0x25: {  	[simem:s6], [sflag:s4] =	dma.local [hbm:s3], $0xF7A  }
0x26: {  	[smem:$0x3F9F] =	sst s1;
	(tag) =	ssettag s2;
	_ =	strace s9  }
0x27: {  	s1 =	sld [smem:$0x3FAF]  }
0x28: {  	s2 =	sld [smem:$0x3FB0]  }
0x29: {  	s4 =	sld [smem:$0x3FB2]  }
0x2a: {  	p0 =	seq.s32 s5, $0x0;
	s5 =	sld [smem:$0x3FB3]  }
0x2b: {  	s6 =	sld [smem:$0x3FB4]  }
0x2c: {  	s7 =	sld [smem:$0x3FB5]  }
0x2d: {  	s3 =	simm.s32 $0x108;
	s8 =	sld [smem:$0x3FB6]  }
0x2e: {  	s3 =	simm.s32 @!p0 $0x1082;
	s9 =	sld [smem:$0x3FB7]  }
0x2f: {  	lr =	sadd.s32 s0, s3;
	s0 =	sld [smem:$0x3FAE]  }
0x30: {  	s3 =	sld [smem:$0x3FB1]  }
0x31: {  	[smem:$0x3FBA] =	sst s10  }
0x32: {  	s10 =	sld [smem:$0x3FB8];
	_ =	sdelay $0x3  }
0x33: {  	p0 =	seq.s32 s10, $0x1;
	s10 =	sld [smem:$0x3FBA];
	_ =	sdelay $0x3  }
0x34: {  	[smem:$0x3FBA] =	sst s10  }
0x35: {  	s10 =	sld [smem:$0x3FB9];
	_ =	sdelay $0x3  }
0x36: {  	p1 =	seq.s32 s10, $0x1;
	s10 =	sld [smem:$0x3FBA];
	_ =	sdelay $0x3  }
0x37: {  	[smem:$0x3FBA] =	sst s10  }
0x38: {  	s10 =	sld [smem:$0x3FBB]  }
0x39: {  	_ = 	snop;
	(pc) =	sbr.ind lr, $3  }
0x3a: {  	_ = 	snop  }
0x3b: {  	_ = 	snop  }
0x3c: {  	p2 =	seq.s32 s10, $0x1;
	s10 =	sld [smem:$0x3FBA]  }
0x3d: {  	_ =	shalt  }
0x3e: {  	_ =	shalt  }
0x3f: {  	_ =	shalt  }
0x40: {  	_ =	shalt  }
0x41: {  	_ =	shalt  }
0x42: {  	_ =	shalt  }
0x43: {  	_ =	shalt  }
0x44: {  	_ =	shalt  }
0x45: {  	_ =	shalt  }
0x46: {  	_ =	shalt  }
0x47: {  	_ =	shalt  }
0x48: {  	_ =	shalt  }
0x49: {  	_ =	shalt  }
0x4a: {  	_ =	shalt  }
0x4b: {  	_ =	shalt  }
0x4c: {  	_ =	shalt  }
0x4d: {  	_ =	shalt  }
0x4e: {  	_ =	shalt  }
0x4f: {  	_ =	shalt  }
0x50: {  	_ =	shalt  }
0x51: {  	_ =	shalt  }
0x52: {  	_ =	shalt  }
0x53: {  	_ =	shalt  }
0x54: {  	_ =	shalt  }
0x55: {  	_ =	shalt  }
0x56: {  	_ =	shalt  }
0x57: {  	_ =	shalt  }
0x58: {  	_ =	shalt  }
0x59: {  	_ =	shalt  }
0x5a: {  	_ =	shalt  }
0x5b: {  	_ =	shalt  }
0x5c: {  	_ =	shalt  }
0x5d: {  	_ =	shalt  }
0x5e: {  	_ =	shalt  }
0x5f: {  	_ =	shalt  }
0x60: {  	_ =	shalt  }
0x61: {  	_ =	shalt  }
0x62: {  	_ =	shalt  }
0x63: {  	_ =	shalt  }
0x64: {  	_ =	shalt  }
0x65: {  	_ =	shalt  }
0x66: {  	_ =	shalt  }
0x67: {  	_ =	shalt  }
0x68: {  	_ =	shalt  }
0x69: {  	_ =	shalt  }
0x6a: {  	_ =	shalt  }
0x6b: {  	_ =	shalt  }
0x6c: {  	_ =	shalt  }
0x6d: {  	_ =	shalt  }
0x6e: {  	_ =	shalt  }
0x6f: {  	_ =	shalt  }
0x70: {  	_ =	shalt  }
0x71: {  	_ =	shalt  }
0x72: {  	_ =	shalt  }
0x73: {  	_ =	shalt  }
0x74: {  	_ =	shalt  }
0x75: {  	_ =	shalt  }
0x76: {  	_ =	shalt  }
0x77: {  	_ =	shalt  }
0x78: {  	_ =	shalt  }
0x79: {  	_ =	shalt  }
0x7a: {  	_ =	shalt  }
0x7b: {  	_ =	shalt  }
0x7c: {  	_ =	shalt  }
0x7d: {  	_ =	shalt  }
0x7e: {  	_ =	shalt  }
0x7f: {  	_ =	shalt  }
0x80: {  	_ =	shalt  }
0x81: {  	_ =	shalt  }
0x82: {  	_ =	shalt  }
0x83: {  	_ =	shalt  }
0x84: {  	_ =	shalt  }
0x85: {  	_ =	shalt  }
0x86: {  	_ =	shalt  }
0x87: {  	_ =	shalt  }
.Lfunc_end0:
.L_simem_size_0:
called_computation_lowered:
.L_overlay_start_0:
0x88: {  	s2 =	sld [smem:$0x3FD9]  }
0x89: {  	s3 =	sld [smem:$0x3FFE];
	_ =	sdelay $0x1  }
0x8a: {  	s1 =	srdreg.scid  }
0x8b: {  	s0 =	sand.u32 $0x1, s1  }
0x8c: {  	s17 =	sshll.u32 s0, $0xA;
	s2 =	sadd.s32 s3, s2  }
0x8d: {  	s2 =	sadd.s32 s2, s17  }
0x8e: {  	[smem:$0x3FC6] =	sst s2  }
0x8f: {  	_ = 	snop  }
0x90: {  	s2 =	sld [smem:$0x3FD0];
	(tm) =	ssettm $0x1  }
0x91: {  	s18 =	sld [smem:$0x3FFB];
	_ =	sdelay $0x3  }
0x92: {  	_ =	strace s18  }
0x93: {  	s3 =	sld [smem:$0x3FFC];
	_ =	sdelay $0x3  }
0x94: {  	_ =	strace s3  }
0x95: {  	s3 =	sld [smem:$0x3FFD];
	_ =	sdelay $0x3  }
0x96: {  	_ =	strace s3  }
0x97: {  	_ =	strace $0x8FFFFFFF  }
0x98: {  	s19 =	sld [smem:$0x3FDB];
	_ =	sdelay $0x1  }
0x99: {  	s4 =	simm.s32 $_scs_section_size  }
0x9a: {  	s5 =	simm.s32 $_size__tile_overlayer_lowered;
	s6 =	simm.s32 $_tile_overlayer_lowered  }
0x9b: {  	s22 =	simm.s32 $0x1BFF;
	s21 =	sshll.u32 s6, $0x1;
	s3 =	sadd.s32 s4, s19  }
0x9c: {  	s7 =	simm.s32 $0x0;
	s20 =	sshll.u32 s5, $0x1;
	s5 =	sadd.s32 s21, s3  }
0x9d: {  	[timem:s7], [sflag:s22] =	dma.local [hbm:s5], s20  }
0x9e: {  	_ =	swait.ge [sflag:s22], s20  }
0x9f: {  	s4 =	ssub.s32 $0x0, s20;
	[sflag:s22] =	ssyncset.done $0x0  }
0xa0: {  	[sflag:s22] =	ssyncadd.s32 s4;
	_ =	sdelay $0x1  }
0xa1: {  	s23 =	simm.s32 $0x1B8B  }
0xa2: {  	_ =	swait.ge [sflag:s23], $0x1  }
0xa3: {  	[sflag:s23] =	ssyncset.done $0x0  }
0xa4: {  	s25 =	simm.s32 $0x1B8E;
	s24 =	sld [smem:$0x3FFE];
	[sflag:s23] =	ssyncadd.s32 $0xFFFFFFFF  }
0xa5: {  	s26 =	simm.s32 $execute0_lowered;
	[smem:$0x3FD2] =	sst s25  }
0xa6: {  	s5 =	sshll.u32 s26, $0x1;
	_ =	strace $0x80000046;
	[dreg:$0x1] =	wrdreg $0xFFFFFFFF  }
0xa7: {  	s28 =	simm.s32 $_size_execute0_lowered;
	s3 =	sadd.s32 s3, s5;
	[dreg:$0x0] =	wrdreg $0x0  }
0xa8: {  	s5 =	sshll.u32 s28, $0x1;
	[dreg:$0x2] =	wrdreg s3  }
0xa9: {  	[dreg:$0x3] =	wrdreg s5  }
0xaa: {  	[dreg:$0x4] =	wrdreg $0xC0  }
0xab: {  	_ =	task [dreg:s7], $0x5FFFF  }
0xac: {  	[dreg:$0x1] =	wrdreg $0xFFFFFFFF  }
0xad: {  	[dreg:$0x0] =	wrdreg $0x60  }
0xae: {  	[dreg:$0x2] =	wrdreg s2  }
0xaf: {  	[dreg:$0x3] =	wrdreg s24  }
0xb0: {  	[dreg:$0x4] =	wrdreg $0x9  }
0xb1: {  	_ =	task.clear_ibuf [dreg:s7], $0x5FFFF;
	_ =	strace $0x90000046  }
0xb2: {  	s29 =	simm.s32 $0x9;
	_ =	strace $0x80000048  }
0xb3: {  	_ =	swait.ge [sflag:s29], $0x1  }
0xb4: {  	[sflag:s29] =	ssyncadd.s32 $0xFFFFFFFF  }
0xb5: {  	_ =	strace $0x90000048  }
0xb6: {  	_ =	sfence  }
0xb7: {  	s30 =	sld [smem:$0x0];
	_ =	sdelay $0x2  }
0xb8: {  	s31 =	sshll.u32 s1, $0xD;
	s1 =	sshrl.u32 s1, $0x2  }
0xb9: {  	s3 =	sand.u32 $0x4000, s31;
	s1 =	sadd.s32 s1, s30  }
0xba: {  	s0 =	sor.u32 s3, s0;
	s1 =	sshll.u32 s1, $0x11  }
0xbb: {  	s0 =	sor.u32 s1, s0  }
0xbc: {  	s0 =	sadd.s32 $0x8F2B, s0  }
0xbd: {  	[sflag:s0] =	ssyncadd.remote.s32 $0x1  }
0xbe: {  	_ =	sfence.sel $0xFFFF  }
0xbf: {  	[dreg:$0x0] =	wrdreg $0xFFFFFFFF;
	(pc) =	sbr.abs _section_cstart, $3  }
0xc0: {  	[dreg:$0x1] =	wrdreg $0xFFFFFFFF  }
0xc1: {  	_ =	task.clear_ibuf [dreg:s7], $0x2FFFF;
	_ =	strace $0x9FFFFFFF  }
0xc2: {  	(tm) =	ssettm $0x7FFFFFFF  }
0xc3: {  	_ =	shalt  }
tec
execute0_lowered:
.L_overlay_start_1:
0x0: {  	(tag) =	ssettag $0x1  }
0x1: {  	s3 =	rddreg [dreg:$0x0]  }
0x2: {  	s4 =	rddreg [dreg:$0x1]  }
0x3: {  	s0 =	rddreg [dreg:$0x2];
	s5 =	srdreg.scid  }
0x4: {  	s1 =	stileid.u32;
	s2 =	simm.s32 $0x0;
	s13 =	simm.s32 $0x4000  }
0x5: {  	s14 =	simm.s32 $0x1;
	s15 =	simm.s32 $0x8000;
	s16 =	simm.s32 $0x2  }
0x6: {  	s17 =	simm.s32 $0x18100;
	s18 =	simm.s32 $0x3;
	s19 =	simm.s32 $0x0  }
0x7: {  	s5 =	sand.u32 $0x1, s5;
	s6 =	sshll.u32 s1, $0x1;
	[smem:$0x7FF] =	sst s2  }
0x8: {  	s6 =	sor.u32 s5, s6;
	_ =	strace $0x80000047;
	s5 =	ssub.s32 $0x2, s5  }
0x9: {  	s7 =	sshll.u32 s6, $0xE;
	s6 =	sshll.u32 s6, $0x9;
	s8 =	sshrl.u32 s5, $0x1  }
0xa: {  	s3 =	sadd.s32 s3, s7;
	s11 =	sadd.s32 s6, s4;
	s12 =	ssub.s32 s5, s8  }
0xb: {  	s4 =	sadd.s32 $0x800, s3;
	s5 =	sadd.s32 $0x1000, s3;
	s6 =	sadd.s32 $0x1800, s3  }
0xc: {  	v1 =	vlaneseq.u32;
	s7 =	sadd.s32 $0x2000, s3;
	s8 =	sadd.s32 $0x2800, s3;
	s9 =	sadd.s32 $0x3000, s3  }
0xd: {  	v0 =	vimm.s32 $0x0;
	v2 =	vimm.s32 $0x1;
	v1 =	vmul.u32 $0x1011, v1;
	s10 =	sadd.s32 $0x3800, s3;
	s11 =	sadd.s32 $0x1800, s11;
	s12 =	smax.u32 s12, $0x1  }
.LBB2_1:
0xe: {  	s20 =	simm.s32 $0x8040  }
0xf: {  	[tilespmem:s20+$0xFFFFFFC0] =	vst v0  }
0x10: {  	[tilespmem:s20+$0x30] =	vst v0  }
0x11: {  	[tilespmem:s20+$0x20] =	vst v0  }
0x12: {  	[tilespmem:s20+$0x10] =	vst v0  }
0x13: {  	[tilespmem:s20+$0x0] =	vst v0  }
0x14: {  	[tilespmem:s20+$0xFFFFFFF0] =	vst v0  }
0x15: {  	s21 =	simm.s32 $0x0;
	[tilespmem:s20+$0xFFFFFFE0] =	vst v0  }
.LBB2_2:
0x16: {  	s21 =	sadd.s32 $0x8, s21;
	[tilespmem:s20+$0xFFFFFFD0] =	vst v0;
	s20 =	sadd.s32 $0x80, s20  }
0x17: {  	[tilespmem:s20+$0xFFFFFFC0] =	vst v0;
	p0 =	slt.u32 s21, $0x1008  }
0x18: {  	[tilespmem:s20+$0x30] =	vst v0  }
.Ltmp0:
0x19: {  	[tilespmem:s20+$0x20] =	vst v0;
	(pc) =	sbr.rel @p0 .LBB2_2-.Ltmp0, $4  }
0x1a: {  	[tilespmem:s20+$0x10] =	vst v0  }
0x1b: {  	[tilespmem:s20+$0x0] =	vst v0  }
0x1c: {  	[tilespmem:s20+$0xFFFFFFF0] =	vst v0  }
0x1d: {  	[tilespmem:s20+$0xFFFFFFE0] =	vst v0  }
0x1e: {  	[tilespmem:s20+$0xFFFFFFD0] =	vst v0  }
0x1f: {  	[tilespmem:s2], [sflag:$0x1] =	stream.linear.gather [hbm4b:s3+s2], $0x4000, $0x38;
	[tilespmem:$0x19100] =	vst v63  }
0x20: {  	_ = 	snop  }
0x21: {  	[tilespmem:s13], [sflag:$0x2] =	stream.linear.gather [hbm4b:s4+s2], $0x4000, $0x38;
	[tilespmem:$0x19100] =	vst v63  }
0x22: {  	_ =	swait.ge [sflag:s14], $0x4000  }
0x23: {  	[sflag:s14] =	ssyncset.done $0x0  }
0x24: {  	s30 =	simm.s32 $0x40;
	[sflag:s14] =	ssyncadd.s32 $0xFFFFC000  }
0x25: {  	v3 =	vld [tilespmem:s30+$0x30]  }
0x26: {  	v4 =	vld [tilespmem:s30+$0xFFFFFFD0]  }
0x27: {  	v5 =	vld [tilespmem:s30+$0xFFFFFFE0]  }
0x28: {  	v6 =	vld [tilespmem:s30+$0xFFFFFFF0]  }
0x29: {  	v7 =	vld [tilespmem:s30+$0x0]  }
0x2a: {  	v8 =	vld [tilespmem:s30+$0x10]  }
0x2b: {  	v9 =	vld [tilespmem:s30+$0x20]  }
0x2c: {  	s31 =	simm.s32 $0xC0;
	v10 =	vld [tilespmem:s30+$0xFFFFFFC0]  }
0x2d: {  	v11 =	vld [tilespmem:s31+$0x30]  }
0x2e: {  	v3 =	vmul.f32 $4.096000000e+03, v3  }
0x2f: {  	v4 =	vmul.f32 $4.096000000e+03, v4;
	v5 =	vmul.f32 $4.096000000e+03, v5  }
0x30: {  	v6 =	vmul.f32 $4.096000000e+03, v6;
	v7 =	vmul.f32 $4.096000000e+03, v7  }
0x31: {  	v8 =	vmul.f32 $4.096000000e+03, v8;
	v9 =	vmul.f32 $4.096000000e+03, v9  }
0x32: {  	v10 =	vmul.f32 $4.096000000e+03, v10;
	v11 =	vmul.f32 $4.096000000e+03, v11  }
0x33: {  	v3 =	vtrunc.f32 v3;
	v4 =	vtrunc.f32 v4  }
0x34: {  	v5 =	vtrunc.f32 v5;
	v6 =	vtrunc.f32 v6  }
0x35: {  	v7 =	vtrunc.f32 v7;
	v8 =	vtrunc.f32 v8  }
0x36: {  	v9 =	vtrunc.f32 v9;
	v10 =	vtrunc.f32 v10  }
0x37: {  	v3 =	vcvt.f32.s32 v3;
	v4 =	vcvt.f32.s32 v4  }
0x38: {  	v5 =	vcvt.f32.s32 v5;
	v10 =	vcvt.f32.s32 v10  }
0x39: {  	v6 =	vcvt.f32.s32 v6;
	v7 =	vcvt.f32.s32 v7  }
0x3a: {  	v8 =	vcvt.f32.s32 v8;
	v9 =	vcvt.f32.s32 v9  }
0x3b: {  	v12 =	vld [tilespmem:s31+$0xFFFFFFD0];
	vm0 =	vlt.s32 v3, $0xFFF;
	vm12 =	vlt.s32 v4, $0xFFF;
	vm1 =	vlt.s32 v5, $0xFFF  }
0x3c: {  	v13 =	vld [tilespmem:s31+$0xFFFFFFE0];
	vm2 =	vlt.s32 v10, $0xFFF;
	vm3 =	vlt.s32 v6, $0xFFF;
	vm13 =	vlt.s32 v7, $0xFFF  }
0x3d: {  	vm4 =	vlt.s32 v8, $0xFFF;
	vm14 =	vlt.s32 v9, $0xFFF;
	v3 =	vnsel vm0, $0xFFF, v3  }
0x3e: {  	v14 =	vld [tilespmem:s31+$0xFFFFFFF0];
	v10 =	vnsel vm2, $0xFFF, v10;
	v4 =	vnsel vm12, $0xFFF, v4;
	v5 =	vnsel vm1, $0xFFF, v5  }
0x3f: {  	v15 =	vld [tilespmem:s31+$0x0];
	v6 =	vnsel vm3, $0xFFF, v6;
	v16 =	vnsel vm13, $0xFFF, v7;
	v18 =	vnsel vm4, $0xFFF, v8  }
0x40: {  	v17 =	vld [tilespmem:s31+$0x10];
	v19 =	vnsel vm14, $0xFFF, v9;
	v7 =	vmul.f32 $4.096000000e+03, v12;
	v3 =	vadd.s32 v1, v3  }
0x41: {  	v8 =	vtrunc.f32 v11;
	v11 =	vld [tilespmem:s31+$0xFFFFFFC0];
	v12 =	vmul.f32 $4.096000000e+03, v13;
	v10 =	vadd.s32 v1, v10  }
0x42: {  	v9 =	vld [tilespmem:s31+$0x20];
	v4 =	vadd.s32 v1, v4;
	v8 =	vcvt.f32.s32 v8;
	v5 =	vadd.s32 v1, v5  }
0x43: {  	v13 =	vtrunc.f32 v7;
	v7 =	vmul.f32 $4.096000000e+03, v14;
	v14 =	vadd.s32 v1, v6  }
0x44: {  	v12 =	vtrunc.f32 v12;
	v6 =	vmul.f32 $4.096000000e+03, v15;
	vm15 =	vlt.s32 v8, $0xFFF  }
0x45: {  	v12 =	vcvt.f32.s32 v12;
	v7 =	vtrunc.f32 v7;
	v15 =	vnsel vm15, $0xFFF, v8;
	[tilespmem:v3+s15+$0x0] =	vst.idx.add.s32.msk $0xffff, v2  }
0x46: {  	v8 =	vtrunc.f32 v6;
	v6 =	vadd.s32 v1, v15;
	v15 =	vmul.f32 $4.096000000e+03, v11;
	[tilespmem:v10+s15+$0x0] =	vst.idx.add.s32.msk $0xffff, v2  }
0x47: {  	v3 =	vmul.f32 $4.096000000e+03, v17;
	v10 =	vmul.f32 $4.096000000e+03, v9;
	[tilespmem:v4+s15+$0x0] =	vst.idx.add.s32.msk $0xffff, v2;
	v4 =	vadd.s32 v1, v16  }
0x48: {  	[tilespmem:v5+s15+$0x0] =	vst.idx.add.s32.msk $0xffff, v2;
	v9 =	vcvt.f32.s32 v13;
	v5 =	vadd.s32 v1, v18;
	v13 =	vtrunc.f32 v15  }
0x49: {  	s20 =	simm.s32 $0x8;
	s21 =	simm.s32 $0x140;
	[tilespmem:v14+s15+$0x0] =	vst.idx.add.s32.msk $0xffff, v2;
	v11 =	vtrunc.f32 v3;
	v10 =	vtrunc.f32 v10;
	v3 =	vadd.s32 v1, v19  }
.LBB2_4:
0x4a: {  	v14 =	vld [tilespmem:s21+$0x30];
	s20 =	sadd.s32 $0x8, s20;
	v13 =	vcvt.f32.s32 v13;
	vm0 =	vlt.s32 v9, $0xFFF;
	v7 =	vcvt.f32.s32 v7  }
0x4b: {  	v8 =	vcvt.f32.s32 v8;
	v11 =	vcvt.f32.s32 v11;
	p0 =	slt.u32 s20, $0x3F8;
	vm1 =	vlt.s32 v12, $0xFFF;
	[tilespmem:v6+s15+$0x0] =	vst.idx.add.s32.msk $0xffff, v2  }
0x4c: {  	v10 =	vcvt.f32.s32 v10;
	v6 =	vld [tilespmem:s21+$0xFFFFFFD0];
	vm2 =	vlt.s32 v13, $0xFFF;
	vm3 =	vlt.s32 v7, $0xFFF  }
0x4d: {  	vm4 =	vlt.s32 v11, $0xFFF;
	v15 =	vld [tilespmem:s21+$0xFFFFFFE0];
	v13 =	vnsel vm2, $0xFFF, v13;
	vm2 =	vlt.s32 v8, $0xFFF  }
0x4e: {  	v9 =	vnsel vm0, $0xFFF, v9;
	v12 =	vnsel vm1, $0xFFF, v12;
	vm0 =	vlt.s32 v10, $0xFFF;
	v16 =	vld [tilespmem:s21+$0xFFFFFFF0]  }
0x4f: {  	v7 =	vnsel vm3, $0xFFF, v7;
	v18 =	vnsel vm2, $0xFFF, v8;
	v17 =	vld [tilespmem:s21+$0x0];
	v14 =	vmul.f32 $4.096000000e+03, v14  }
0x50: {  	v19 =	vnsel vm4, $0xFFF, v11;
	v20 =	vnsel vm0, $0xFFF, v10;
	v13 =	vadd.s32 v1, v13;
	v8 =	vld [tilespmem:s21+$0x10]  }
0x51: {  	v9 =	vadd.s32 v1, v9;
	v6 =	vmul.f32 $4.096000000e+03, v6;
	v10 =	vld [tilespmem:s21+$0x20];
	v11 =	vtrunc.f32 v14  }
0x52: {  	v12 =	vadd.s32 v1, v12;
	v14 =	vld [tilespmem:s21+$0xFFFFFFC0];
	v15 =	vmul.f32 $4.096000000e+03, v15;
	v11 =	vcvt.f32.s32 v11  }
0x53: {  	v21 =	vtrunc.f32 v6;
	v6 =	vmul.f32 $4.096000000e+03, v16;
	v16 =	vadd.s32 v1, v7;
	[tilespmem:v4+s15+$0x0] =	vst.idx.add.s32.msk $0xffff, v2  }
0x54: {  	v15 =	vtrunc.f32 v15;
	v4 =	vmul.f32 $4.096000000e+03, v17;
	vm0 =	vlt.s32 v11, $0xFFF;
	[tilespmem:v5+s15+$0x0] =	vst.idx.add.s32.msk $0xffff, v2  }
.Ltmp1:
0x55: {  	v7 =	vtrunc.f32 v6;
	v5 =	vmul.f32 $4.096000000e+03, v8;
	v6 =	vnsel vm0, $0xFFF, v11;
	[tilespmem:v13+s15+$0x0] =	vst.idx.add.s32.msk $0xffff, v2;
	(pc) =	sbr.rel @p0 .LBB2_4-.Ltmp1, $4  }
0x56: {  	v8 =	vtrunc.f32 v4;
	v10 =	vmul.f32 $4.096000000e+03, v10;
	v6 =	vadd.s32 v1, v6;
	[tilespmem:v9+s15+$0x0] =	vst.idx.add.s32.msk $0xffff, v2  }
0x57: {  	v4 =	vadd.s32 v1, v18;
	v13 =	vmul.f32 $4.096000000e+03, v14;
	v11 =	vtrunc.f32 v5;
	[tilespmem:v12+s15+$0x0] =	vst.idx.add.s32.msk $0xffff, v2  }
0x58: {  	v9 =	vcvt.f32.s32 v21;
	v5 =	vadd.s32 v1, v19;
	v10 =	vtrunc.f32 v10;
	[tilespmem:v16+s15+$0x0] =	vst.idx.add.s32.msk $0xffff, v2  }
0x59: {  	s21 =	sadd.s32 $0x80, s21;
	v12 =	vcvt.f32.s32 v15;
	v13 =	vtrunc.f32 v13;
	[tilespmem:v3+s15+$0x0] =	vst.idx.add.s32.msk $0xffff, v2;
	v3 =	vadd.s32 v1, v20  }
0x5a: {  	v13 =	vcvt.f32.s32 v13;
	v7 =	vcvt.f32.s32 v7  }
0x5b: {  	vm0 =	vlt.s32 v9, $0xFFF;
	v8 =	vcvt.f32.s32 v8;
	v11 =	vcvt.f32.s32 v11  }
0x5c: {  	vm2 =	vlt.s32 v12, $0xFFF;
	v9 =	vnsel vm0, $0xFFF, v9;
	vm1 =	vlt.s32 v13, $0xFFF  }
0x5d: {  	vm5 =	vlt.s32 v7, $0xFFF;
	v12 =	vnsel vm2, $0xFFF, v12;
	v9 =	vadd.s32 v1, v9  }
0x5e: {  	[tilespmem:v6+s15+$0x0] =	vst.idx.add.s32.msk $0xffff, v2;
	v13 =	vnsel vm1, $0xFFF, v13;
	v6 =	vnsel vm5, $0xFFF, v7;
	v7 =	vadd.s32 v1, v12  }
0x5f: {  	v10 =	vcvt.f32.s32 v10;
	[tilespmem:v4+s15+$0x0] =	vst.idx.add.s32.msk $0xffff, v2;
	vm6 =	vlt.s32 v8, $0xFFF;
	v13 =	vadd.s32 v1, v13  }
0x60: {  	[tilespmem:v5+s15+$0x0] =	vst.idx.add.s32.msk $0xffff, v2;
	vm7 =	vlt.s32 v11, $0xFFF;
	v4 =	vnsel vm6, $0xFFF, v8;
	v6 =	vadd.s32 v1, v6  }
0x61: {  	[tilespmem:v3+s15+$0x0] =	vst.idx.add.s32.msk $0xffff, v2;
	vm8 =	vlt.s32 v10, $0xFFF;
	v5 =	vnsel vm7, $0xFFF, v11;
	v4 =	vadd.s32 v1, v4  }
0x62: {  	v8 =	vnsel vm8, $0xFFF, v10;
	v5 =	vadd.s32 v1, v5;
	[tilespmem:v9+s15+$0x0] =	vst.idx.add.s32.msk $0xffff, v2  }
0x63: {  	[tilespmem:v7+s15+$0x0] =	vst.idx.add.s32.msk $0xffff, v2;
	v7 =	vadd.s32 v1, v8  }
0x64: {  	[tilespmem:v13+s15+$0x0] =	vst.idx.add.s32.msk $0xffff, v2  }
0x65: {  	[tilespmem:v6+s15+$0x0] =	vst.idx.add.s32.msk $0xffff, v2  }
0x66: {  	[tilespmem:v4+s15+$0x0] =	vst.idx.add.s32.msk $0xffff, v2  }
0x67: {  	[tilespmem:v5+s15+$0x0] =	vst.idx.add.s32.msk $0xffff, v2  }
0x68: {  	[tilespmem:v7+s15+$0x0] =	vst.idx.add.s32.msk $0xffff, v2  }
0x69: {  	[tilespmem:s2], [sflag:$0x1] =	stream.linear.gather [hbm4b:s5+s2], $0x4000, $0x38;
	[tilespmem:$0x19100] =	vst v63  }
0x6a: {  	_ =	swait.ge [sflag:s16], $0x4000  }
0x6b: {  	[sflag:s16] =	ssyncset.done $0x0  }
0x6c: {  	s20 =	simm.s32 $0x4040;
	[sflag:s16] =	ssyncadd.s32 $0xFFFFC000  }
0x6d: {  	v3 =	vld [tilespmem:s20+$0x30]  }
0x6e: {  	v4 =	vld [tilespmem:s20+$0xFFFFFFD0]  }
0x6f: {  	v5 =	vld [tilespmem:s20+$0xFFFFFFE0]  }
0x70: {  	v6 =	vld [tilespmem:s20+$0xFFFFFFF0]  }
0x71: {  	v7 =	vld [tilespmem:s20+$0x0]  }
0x72: {  	v8 =	vld [tilespmem:s20+$0x10]  }
0x73: {  	v9 =	vld [tilespmem:s20+$0x20]  }
0x74: {  	s31 =	simm.s32 $0x40C0;
	v10 =	vld [tilespmem:s20+$0xFFFFFFC0]  }
0x75: {  	v11 =	vld [tilespmem:s31+$0x30]  }
0x76: {  	v3 =	vmul.f32 $4.096000000e+03, v3  }
0x77: {  	v4 =	vmul.f32 $4.096000000e+03, v4;
	v5 =	vmul.f32 $4.096000000e+03, v5  }
0x78: {  	v6 =	vmul.f32 $4.096000000e+03, v6;
	v7 =	vmul.f32 $4.096000000e+03, v7  }
0x79: {  	v8 =	vmul.f32 $4.096000000e+03, v8;
	v9 =	vmul.f32 $4.096000000e+03, v9  }
0x7a: {  	v10 =	vmul.f32 $4.096000000e+03, v10;
	v11 =	vmul.f32 $4.096000000e+03, v11  }
0x7b: {  	v3 =	vtrunc.f32 v3;
	v4 =	vtrunc.f32 v4  }
0x7c: {  	v5 =	vtrunc.f32 v5;
	v6 =	vtrunc.f32 v6  }
0x7d: {  	v7 =	vtrunc.f32 v7;
	v8 =	vtrunc.f32 v8  }
0x7e: {  	v9 =	vtrunc.f32 v9;
	v10 =	vtrunc.f32 v10  }
0x7f: {  	v3 =	vcvt.f32.s32 v3;
	v4 =	vcvt.f32.s32 v4  }
0x80: {  	v5 =	vcvt.f32.s32 v5;
	v10 =	vcvt.f32.s32 v10  }
0x81: {  	v6 =	vcvt.f32.s32 v6;
	v7 =	vcvt.f32.s32 v7  }
0x82: {  	v8 =	vcvt.f32.s32 v8;
	v9 =	vcvt.f32.s32 v9  }
0x83: {  	v12 =	vld [tilespmem:s31+$0xFFFFFFD0];
	vm9 =	vlt.s32 v3, $0xFFF;
	vm10 =	vlt.s32 v4, $0xFFF;
	vm11 =	vlt.s32 v5, $0xFFF  }
0x84: {  	v13 =	vld [tilespmem:s31+$0xFFFFFFE0];
	vm12 =	vlt.s32 v10, $0xFFF;
	vm3 =	vlt.s32 v6, $0xFFF;
	vm13 =	vlt.s32 v7, $0xFFF  }
0x85: {  	vm4 =	vlt.s32 v8, $0xFFF;
	vm14 =	vlt.s32 v9, $0xFFF;
	v3 =	vnsel vm9, $0xFFF, v3  }
0x86: {  	v14 =	vld [tilespmem:s31+$0xFFFFFFF0];
	v10 =	vnsel vm12, $0xFFF, v10;
	v4 =	vnsel vm10, $0xFFF, v4;
	v5 =	vnsel vm11, $0xFFF, v5  }
0x87: {  	v15 =	vld [tilespmem:s31+$0x0];
	v6 =	vnsel vm3, $0xFFF, v6;
	v16 =	vnsel vm13, $0xFFF, v7;
	v18 =	vnsel vm4, $0xFFF, v8  }
0x88: {  	v17 =	vld [tilespmem:s31+$0x10];
	v19 =	vnsel vm14, $0xFFF, v9;
	v7 =	vmul.f32 $4.096000000e+03, v12;
	v3 =	vadd.s32 v1, v3  }
0x89: {  	v8 =	vtrunc.f32 v11;
	v11 =	vld [tilespmem:s31+$0xFFFFFFC0];
	v12 =	vmul.f32 $4.096000000e+03, v13;
	v10 =	vadd.s32 v1, v10  }
0x8a: {  	v9 =	vld [tilespmem:s31+$0x20];
	v4 =	vadd.s32 v1, v4;
	v8 =	vcvt.f32.s32 v8;
	v5 =	vadd.s32 v1, v5  }
0x8b: {  	v13 =	vtrunc.f32 v7;
	v7 =	vmul.f32 $4.096000000e+03, v14;
	v14 =	vadd.s32 v1, v6  }
0x8c: {  	v12 =	vtrunc.f32 v12;
	v6 =	vmul.f32 $4.096000000e+03, v15;
	vm15 =	vlt.s32 v8, $0xFFF  }
0x8d: {  	v12 =	vcvt.f32.s32 v12;
	v7 =	vtrunc.f32 v7;
	v15 =	vnsel vm15, $0xFFF, v8;
	[tilespmem:v3+s15+$0x0] =	vst.idx.add.s32.msk $0xffff, v2  }
0x8e: {  	v8 =	vtrunc.f32 v6;
	v6 =	vadd.s32 v1, v15;
	v15 =	vmul.f32 $4.096000000e+03, v11;
	[tilespmem:v10+s15+$0x0] =	vst.idx.add.s32.msk $0xffff, v2  }
0x8f: {  	v3 =	vmul.f32 $4.096000000e+03, v17;
	v10 =	vmul.f32 $4.096000000e+03, v9;
	[tilespmem:v4+s15+$0x0] =	vst.idx.add.s32.msk $0xffff, v2;
	v4 =	vadd.s32 v1, v16  }
0x90: {  	[tilespmem:v5+s15+$0x0] =	vst.idx.add.s32.msk $0xffff, v2;
	v9 =	vcvt.f32.s32 v13;
	v5 =	vadd.s32 v1, v18;
	v13 =	vtrunc.f32 v15  }
0x91: {  	s21 =	simm.s32 $0x4140;
	s20 =	simm.s32 $0x8;
	[tilespmem:v14+s15+$0x0] =	vst.idx.add.s32.msk $0xffff, v2;
	v11 =	vtrunc.f32 v3;
	v10 =	vtrunc.f32 v10;
	v3 =	vadd.s32 v1, v19  }
.LBB2_6:
0x92: {  	v14 =	vld [tilespmem:s21+$0x30];
	s20 =	sadd.s32 $0x8, s20;
	v13 =	vcvt.f32.s32 v13;
	vm0 =	vlt.s32 v9, $0xFFF;
	v7 =	vcvt.f32.s32 v7  }
0x93: {  	v8 =	vcvt.f32.s32 v8;
	v11 =	vcvt.f32.s32 v11;
	p0 =	slt.u32 s20, $0x3F8;
	vm1 =	vlt.s32 v12, $0xFFF;
	[tilespmem:v6+s15+$0x0] =	vst.idx.add.s32.msk $0xffff, v2  }
0x94: {  	v10 =	vcvt.f32.s32 v10;
	v6 =	vld [tilespmem:s21+$0xFFFFFFD0];
	vm2 =	vlt.s32 v13, $0xFFF;
	vm3 =	vlt.s32 v7, $0xFFF  }
0x95: {  	vm4 =	vlt.s32 v11, $0xFFF;
	v15 =	vld [tilespmem:s21+$0xFFFFFFE0];
	v13 =	vnsel vm2, $0xFFF, v13;
	vm2 =	vlt.s32 v8, $0xFFF  }
0x96: {  	v9 =	vnsel vm0, $0xFFF, v9;
	v12 =	vnsel vm1, $0xFFF, v12;
	vm0 =	vlt.s32 v10, $0xFFF;
	v16 =	vld [tilespmem:s21+$0xFFFFFFF0]  }
0x97: {  	v7 =	vnsel vm3, $0xFFF, v7;
	v18 =	vnsel vm2, $0xFFF, v8;
	v17 =	vld [tilespmem:s21+$0x0];
	v14 =	vmul.f32 $4.096000000e+03, v14  }
0x98: {  	v19 =	vnsel vm4, $0xFFF, v11;
	v20 =	vnsel vm0, $0xFFF, v10;
	v13 =	vadd.s32 v1, v13;
	v8 =	vld [tilespmem:s21+$0x10]  }
0x99: {  	v9 =	vadd.s32 v1, v9;
	v6 =	vmul.f32 $4.096000000e+03, v6;
	v10 =	vld [tilespmem:s21+$0x20];
	v11 =	vtrunc.f32 v14  }
0x9a: {  	v12 =	vadd.s32 v1, v12;
	v14 =	vld [tilespmem:s21+$0xFFFFFFC0];
	v15 =	vmul.f32 $4.096000000e+03, v15;
	v11 =	vcvt.f32.s32 v11  }
0x9b: {  	v21 =	vtrunc.f32 v6;
	v6 =	vmul.f32 $4.096000000e+03, v16;
	v16 =	vadd.s32 v1, v7;
	[tilespmem:v4+s15+$0x0] =	vst.idx.add.s32.msk $0xffff, v2  }
0x9c: {  	v15 =	vtrunc.f32 v15;
	v4 =	vmul.f32 $4.096000000e+03, v17;
	vm0 =	vlt.s32 v11, $0xFFF;
	[tilespmem:v5+s15+$0x0] =	vst.idx.add.s32.msk $0xffff, v2  }
.Ltmp2:
0x9d: {  	v7 =	vtrunc.f32 v6;
	v5 =	vmul.f32 $4.096000000e+03, v8;
	v6 =	vnsel vm0, $0xFFF, v11;
	[tilespmem:v13+s15+$0x0] =	vst.idx.add.s32.msk $0xffff, v2;
	(pc) =	sbr.rel @p0 .LBB2_6-.Ltmp2, $4  }
0x9e: {  	v8 =	vtrunc.f32 v4;
	v10 =	vmul.f32 $4.096000000e+03, v10;
	v6 =	vadd.s32 v1, v6;
	[tilespmem:v9+s15+$0x0] =	vst.idx.add.s32.msk $0xffff, v2  }
0x9f: {  	v4 =	vadd.s32 v1, v18;
	v13 =	vmul.f32 $4.096000000e+03, v14;
	v11 =	vtrunc.f32 v5;
	[tilespmem:v12+s15+$0x0] =	vst.idx.add.s32.msk $0xffff, v2  }
0xa0: {  	v9 =	vcvt.f32.s32 v21;
	v5 =	vadd.s32 v1, v19;
	v10 =	vtrunc.f32 v10;
	[tilespmem:v16+s15+$0x0] =	vst.idx.add.s32.msk $0xffff, v2  }
0xa1: {  	s21 =	sadd.s32 $0x80, s21;
	v12 =	vcvt.f32.s32 v15;
	v13 =	vtrunc.f32 v13;
	[tilespmem:v3+s15+$0x0] =	vst.idx.add.s32.msk $0xffff, v2;
	v3 =	vadd.s32 v1, v20  }
0xa2: {  	v13 =	vcvt.f32.s32 v13;
	v7 =	vcvt.f32.s32 v7  }
0xa3: {  	vm0 =	vlt.s32 v9, $0xFFF;
	v8 =	vcvt.f32.s32 v8;
	v11 =	vcvt.f32.s32 v11  }
0xa4: {  	vm2 =	vlt.s32 v12, $0xFFF;
	v9 =	vnsel vm0, $0xFFF, v9;
	vm1 =	vlt.s32 v13, $0xFFF  }
0xa5: {  	vm5 =	vlt.s32 v7, $0xFFF;
	v12 =	vnsel vm2, $0xFFF, v12;
	v9 =	vadd.s32 v1, v9  }
0xa6: {  	[tilespmem:v6+s15+$0x0] =	vst.idx.add.s32.msk $0xffff, v2;
	v13 =	vnsel vm1, $0xFFF, v13;
	v6 =	vnsel vm5, $0xFFF, v7;
	v7 =	vadd.s32 v1, v12  }
0xa7: {  	v10 =	vcvt.f32.s32 v10;
	[tilespmem:v4+s15+$0x0] =	vst.idx.add.s32.msk $0xffff, v2;
	vm6 =	vlt.s32 v8, $0xFFF;
	v13 =	vadd.s32 v1, v13  }
0xa8: {  	[tilespmem:v5+s15+$0x0] =	vst.idx.add.s32.msk $0xffff, v2;
	vm7 =	vlt.s32 v11, $0xFFF;
	v4 =	vnsel vm6, $0xFFF, v8;
	v6 =	vadd.s32 v1, v6  }
0xa9: {  	[tilespmem:v3+s15+$0x0] =	vst.idx.add.s32.msk $0xffff, v2;
	vm8 =	vlt.s32 v10, $0xFFF;
	v5 =	vnsel vm7, $0xFFF, v11;
	v4 =	vadd.s32 v1, v4  }
0xaa: {  	v8 =	vnsel vm8, $0xFFF, v10;
	v5 =	vadd.s32 v1, v5;
	[tilespmem:v9+s15+$0x0] =	vst.idx.add.s32.msk $0xffff, v2  }
0xab: {  	[tilespmem:v7+s15+$0x0] =	vst.idx.add.s32.msk $0xffff, v2;
	v7 =	vadd.s32 v1, v8  }
0xac: {  	[tilespmem:v13+s15+$0x0] =	vst.idx.add.s32.msk $0xffff, v2  }
0xad: {  	[tilespmem:v6+s15+$0x0] =	vst.idx.add.s32.msk $0xffff, v2  }
0xae: {  	[tilespmem:v4+s15+$0x0] =	vst.idx.add.s32.msk $0xffff, v2  }
0xaf: {  	[tilespmem:v5+s15+$0x0] =	vst.idx.add.s32.msk $0xffff, v2  }
0xb0: {  	[tilespmem:v7+s15+$0x0] =	vst.idx.add.s32.msk $0xffff, v2  }
0xb1: {  	[tilespmem:s13], [sflag:$0x2] =	stream.linear.gather [hbm4b:s6+s2], $0x4000, $0x38;
	[tilespmem:$0x19100] =	vst v63  }
0xb2: {  	_ =	swait.ge [sflag:s14], $0x4000  }
0xb3: {  	[sflag:s14] =	ssyncset.done $0x0  }
0xb4: {  	s20 =	simm.s32 $0x40;
	[sflag:s14] =	ssyncadd.s32 $0xFFFFC000  }
0xb5: {  	v3 =	vld [tilespmem:s20+$0x30]  }
0xb6: {  	v4 =	vld [tilespmem:s20+$0xFFFFFFD0]  }
0xb7: {  	v5 =	vld [tilespmem:s20+$0xFFFFFFE0]  }
0xb8: {  	v6 =	vld [tilespmem:s20+$0xFFFFFFF0]  }
0xb9: {  	v7 =	vld [tilespmem:s20+$0x0]  }
0xba: {  	v8 =	vld [tilespmem:s20+$0x10]  }
0xbb: {  	v9 =	vld [tilespmem:s20+$0x20]  }
0xbc: {  	s31 =	simm.s32 $0xC0;
	v10 =	vld [tilespmem:s20+$0xFFFFFFC0]  }
0xbd: {  	v11 =	vld [tilespmem:s31+$0x30]  }
0xbe: {  	v3 =	vmul.f32 $4.096000000e+03, v3  }
0xbf: {  	v4 =	vmul.f32 $4.096000000e+03, v4;
	v5 =	vmul.f32 $4.096000000e+03, v5  }
0xc0: {  	v6 =	vmul.f32 $4.096000000e+03, v6;
	v7 =	vmul.f32 $4.096000000e+03, v7  }
0xc1: {  	v8 =	vmul.f32 $4.096000000e+03, v8;
	v9 =	vmul.f32 $4.096000000e+03, v9  }
0xc2: {  	v10 =	vmul.f32 $4.096000000e+03, v10;
	v11 =	vmul.f32 $4.096000000e+03, v11  }
0xc3: {  	v3 =	vtrunc.f32 v3;
	v4 =	vtrunc.f32 v4  }
0xc4: {  	v5 =	vtrunc.f32 v5;
	v6 =	vtrunc.f32 v6  }
0xc5: {  	v7 =	vtrunc.f32 v7;
	v8 =	vtrunc.f32 v8  }
0xc6: {  	v9 =	vtrunc.f32 v9;
	v10 =	vtrunc.f32 v10  }
0xc7: {  	v3 =	vcvt.f32.s32 v3;
	v4 =	vcvt.f32.s32 v4  }
0xc8: {  	v5 =	vcvt.f32.s32 v5;
	v10 =	vcvt.f32.s32 v10  }
0xc9: {  	v6 =	vcvt.f32.s32 v6;
	v7 =	vcvt.f32.s32 v7  }
0xca: {  	v8 =	vcvt.f32.s32 v8;
	v9 =	vcvt.f32.s32 v9  }
0xcb: {  	v12 =	vld [tilespmem:s31+$0xFFFFFFD0];
	vm9 =	vlt.s32 v3, $0xFFF;
	vm10 =	vlt.s32 v4, $0xFFF;
	vm11 =	vlt.s32 v5, $0xFFF  }
0xcc: {  	v13 =	vld [tilespmem:s31+$0xFFFFFFE0];
	vm12 =	vlt.s32 v10, $0xFFF;
	vm3 =	vlt.s32 v6, $0xFFF;
	vm13 =	vlt.s32 v7, $0xFFF  }
0xcd: {  	vm4 =	vlt.s32 v8, $0xFFF;
	vm14 =	vlt.s32 v9, $0xFFF;
	v3 =	vnsel vm9, $0xFFF, v3  }
0xce: {  	v14 =	vld [tilespmem:s31+$0xFFFFFFF0];
	v10 =	vnsel vm12, $0xFFF, v10;
	v4 =	vnsel vm10, $0xFFF, v4;
	v5 =	vnsel vm11, $0xFFF, v5  }
0xcf: {  	v15 =	vld [tilespmem:s31+$0x0];
	v6 =	vnsel vm3, $0xFFF, v6;
	v16 =	vnsel vm13, $0xFFF, v7;
	v18 =	vnsel vm4, $0xFFF, v8  }
0xd0: {  	v17 =	vld [tilespmem:s31+$0x10];
	v19 =	vnsel vm14, $0xFFF, v9;
	v7 =	vmul.f32 $4.096000000e+03, v12;
	v3 =	vadd.s32 v1, v3  }
0xd1: {  	v8 =	vtrunc.f32 v11;
	v11 =	vld [tilespmem:s31+$0xFFFFFFC0];
	v12 =	vmul.f32 $4.096000000e+03, v13;
	v10 =	vadd.s32 v1, v10  }
0xd2: {  	v9 =	vld [tilespmem:s31+$0x20];
	v4 =	vadd.s32 v1, v4;
	v8 =	vcvt.f32.s32 v8;
	v5 =	vadd.s32 v1, v5  }
0xd3: {  	v13 =	vtrunc.f32 v7;
	v7 =	vmul.f32 $4.096000000e+03, v14;
	v14 =	vadd.s32 v1, v6  }
0xd4: {  	v12 =	vtrunc.f32 v12;
	v6 =	vmul.f32 $4.096000000e+03, v15;
	vm15 =	vlt.s32 v8, $0xFFF  }
0xd5: {  	v12 =	vcvt.f32.s32 v12;
	v7 =	vtrunc.f32 v7;
	v15 =	vnsel vm15, $0xFFF, v8;
	[tilespmem:v3+s15+$0x0] =	vst.idx.add.s32.msk $0xffff, v2  }
0xd6: {  	v8 =	vtrunc.f32 v6;
	v6 =	vadd.s32 v1, v15;
	v15 =	vmul.f32 $4.096000000e+03, v11;
	[tilespmem:v10+s15+$0x0] =	vst.idx.add.s32.msk $0xffff, v2  }
0xd7: {  	v3 =	vmul.f32 $4.096000000e+03, v17;
	v10 =	vmul.f32 $4.096000000e+03, v9;
	[tilespmem:v4+s15+$0x0] =	vst.idx.add.s32.msk $0xffff, v2;
	v4 =	vadd.s32 v1, v16  }
0xd8: {  	[tilespmem:v5+s15+$0x0] =	vst.idx.add.s32.msk $0xffff, v2;
	v9 =	vcvt.f32.s32 v13;
	v5 =	vadd.s32 v1, v18;
	v13 =	vtrunc.f32 v15  }
0xd9: {  	s21 =	simm.s32 $0x140;
	s20 =	simm.s32 $0x8;
	[tilespmem:v14+s15+$0x0] =	vst.idx.add.s32.msk $0xffff, v2;
	v11 =	vtrunc.f32 v3;
	v10 =	vtrunc.f32 v10;
	v3 =	vadd.s32 v1, v19  }
.LBB2_8:
0xda: {  	v14 =	vld [tilespmem:s21+$0x30];
	s20 =	sadd.s32 $0x8, s20;
	v13 =	vcvt.f32.s32 v13;
	vm0 =	vlt.s32 v9, $0xFFF;
	v7 =	vcvt.f32.s32 v7  }
0xdb: {  	v8 =	vcvt.f32.s32 v8;
	v11 =	vcvt.f32.s32 v11;
	p0 =	slt.u32 s20, $0x3F8;
	vm1 =	vlt.s32 v12, $0xFFF;
	[tilespmem:v6+s15+$0x0] =	vst.idx.add.s32.msk $0xffff, v2  }
0xdc: {  	v10 =	vcvt.f32.s32 v10;
	v6 =	vld [tilespmem:s21+$0xFFFFFFD0];
	vm2 =	vlt.s32 v13, $0xFFF;
	vm3 =	vlt.s32 v7, $0xFFF  }
0xdd: {  	vm4 =	vlt.s32 v11, $0xFFF;
	v15 =	vld [tilespmem:s21+$0xFFFFFFE0];
	v13 =	vnsel vm2, $0xFFF, v13;
	vm2 =	vlt.s32 v8, $0xFFF  }
0xde: {  	v9 =	vnsel vm0, $0xFFF, v9;
	v12 =	vnsel vm1, $0xFFF, v12;
	vm0 =	vlt.s32 v10, $0xFFF;
	v16 =	vld [tilespmem:s21+$0xFFFFFFF0]  }
0xdf: {  	v7 =	vnsel vm3, $0xFFF, v7;
	v18 =	vnsel vm2, $0xFFF, v8;
	v17 =	vld [tilespmem:s21+$0x0];
	v14 =	vmul.f32 $4.096000000e+03, v14  }
0xe0: {  	v19 =	vnsel vm4, $0xFFF, v11;
	v20 =	vnsel vm0, $0xFFF, v10;
	v13 =	vadd.s32 v1, v13;
	v8 =	vld [tilespmem:s21+$0x10]  }
0xe1: {  	v9 =	vadd.s32 v1, v9;
	v6 =	vmul.f32 $4.096000000e+03, v6;
	v10 =	vld [tilespmem:s21+$0x20];
	v11 =	vtrunc.f32 v14  }
0xe2: {  	v12 =	vadd.s32 v1, v12;
	v14 =	vld [tilespmem:s21+$0xFFFFFFC0];
	v15 =	vmul.f32 $4.096000000e+03, v15;
	v11 =	vcvt.f32.s32 v11  }
0xe3: {  	v21 =	vtrunc.f32 v6;
	v6 =	vmul.f32 $4.096000000e+03, v16;
	v16 =	vadd.s32 v1, v7;
	[tilespmem:v4+s15+$0x0] =	vst.idx.add.s32.msk $0xffff, v2  }
0xe4: {  	v15 =	vtrunc.f32 v15;
	v4 =	vmul.f32 $4.096000000e+03, v17;
	vm0 =	vlt.s32 v11, $0xFFF;
	[tilespmem:v5+s15+$0x0] =	vst.idx.add.s32.msk $0xffff, v2  }
.Ltmp3:
0xe5: {  	v7 =	vtrunc.f32 v6;
	v5 =	vmul.f32 $4.096000000e+03, v8;
	v6 =	vnsel vm0, $0xFFF, v11;
	[tilespmem:v13+s15+$0x0] =	vst.idx.add.s32.msk $0xffff, v2;
	(pc) =	sbr.rel @p0 .LBB2_8-.Ltmp3, $4  }
0xe6: {  	v8 =	vtrunc.f32 v4;
	v10 =	vmul.f32 $4.096000000e+03, v10;
	v6 =	vadd.s32 v1, v6;
	[tilespmem:v9+s15+$0x0] =	vst.idx.add.s32.msk $0xffff, v2  }
0xe7: {  	v4 =	vadd.s32 v1, v18;
	v13 =	vmul.f32 $4.096000000e+03, v14;
	v11 =	vtrunc.f32 v5;
	[tilespmem:v12+s15+$0x0] =	vst.idx.add.s32.msk $0xffff, v2  }
0xe8: {  	v9 =	vcvt.f32.s32 v21;
	v5 =	vadd.s32 v1, v19;
	v10 =	vtrunc.f32 v10;
	[tilespmem:v16+s15+$0x0] =	vst.idx.add.s32.msk $0xffff, v2  }
0xe9: {  	s21 =	sadd.s32 $0x80, s21;
	v12 =	vcvt.f32.s32 v15;
	v13 =	vtrunc.f32 v13;
	[tilespmem:v3+s15+$0x0] =	vst.idx.add.s32.msk $0xffff, v2;
	v3 =	vadd.s32 v1, v20  }
0xea: {  	v13 =	vcvt.f32.s32 v13;
	v7 =	vcvt.f32.s32 v7  }
0xeb: {  	vm0 =	vlt.s32 v9, $0xFFF;
	v8 =	vcvt.f32.s32 v8;
	v11 =	vcvt.f32.s32 v11  }
0xec: {  	vm2 =	vlt.s32 v12, $0xFFF;
	v9 =	vnsel vm0, $0xFFF, v9;
	vm1 =	vlt.s32 v13, $0xFFF  }
0xed: {  	vm5 =	vlt.s32 v7, $0xFFF;
	v12 =	vnsel vm2, $0xFFF, v12;
	v9 =	vadd.s32 v1, v9  }
0xee: {  	[tilespmem:v6+s15+$0x0] =	vst.idx.add.s32.msk $0xffff, v2;
	v13 =	vnsel vm1, $0xFFF, v13;
	v6 =	vnsel vm5, $0xFFF, v7;
	v7 =	vadd.s32 v1, v12  }
0xef: {  	v10 =	vcvt.f32.s32 v10;
	[tilespmem:v4+s15+$0x0] =	vst.idx.add.s32.msk $0xffff, v2;
	vm6 =	vlt.s32 v8, $0xFFF;
	v13 =	vadd.s32 v1, v13  }
0xf0: {  	[tilespmem:v5+s15+$0x0] =	vst.idx.add.s32.msk $0xffff, v2;
	vm7 =	vlt.s32 v11, $0xFFF;
	v4 =	vnsel vm6, $0xFFF, v8;
	v6 =	vadd.s32 v1, v6  }
0xf1: {  	[tilespmem:v3+s15+$0x0] =	vst.idx.add.s32.msk $0xffff, v2;
	vm8 =	vlt.s32 v10, $0xFFF;
	v5 =	vnsel vm7, $0xFFF, v11;
	v4 =	vadd.s32 v1, v4  }
0xf2: {  	v8 =	vnsel vm8, $0xFFF, v10;
	v5 =	vadd.s32 v1, v5;
	[tilespmem:v9+s15+$0x0] =	vst.idx.add.s32.msk $0xffff, v2  }
0xf3: {  	[tilespmem:v7+s15+$0x0] =	vst.idx.add.s32.msk $0xffff, v2;
	v7 =	vadd.s32 v1, v8  }
0xf4: {  	[tilespmem:v13+s15+$0x0] =	vst.idx.add.s32.msk $0xffff, v2  }
0xf5: {  	[tilespmem:v6+s15+$0x0] =	vst.idx.add.s32.msk $0xffff, v2  }
0xf6: {  	[tilespmem:v4+s15+$0x0] =	vst.idx.add.s32.msk $0xffff, v2  }
0xf7: {  	[tilespmem:v5+s15+$0x0] =	vst.idx.add.s32.msk $0xffff, v2  }
0xf8: {  	[tilespmem:v7+s15+$0x0] =	vst.idx.add.s32.msk $0xffff, v2  }
0xf9: {  	[tilespmem:s2], [sflag:$0x1] =	stream.linear.gather [hbm4b:s7+s2], $0x4000, $0x38;
	[tilespmem:$0x19100] =	vst v63  }
0xfa: {  	_ =	swait.ge [sflag:s16], $0x4000  }
0xfb: {  	[sflag:s16] =	ssyncset.done $0x0  }
0xfc: {  	s20 =	simm.s32 $0x4040;
	[sflag:s16] =	ssyncadd.s32 $0xFFFFC000  }
0xfd: {  	v3 =	vld [tilespmem:s20+$0x30]  }
0xfe: {  	v4 =	vld [tilespmem:s20+$0xFFFFFFD0]  }
0xff: {  	v5 =	vld [tilespmem:s20+$0xFFFFFFE0]  }
0x100: {  	v6 =	vld [tilespmem:s20+$0xFFFFFFF0]  }
0x101: {  	v7 =	vld [tilespmem:s20+$0x0]  }
0x102: {  	v8 =	vld [tilespmem:s20+$0x10]  }
0x103: {  	v9 =	vld [tilespmem:s20+$0x20]  }
0x104: {  	s31 =	simm.s32 $0x40C0;
	v10 =	vld [tilespmem:s20+$0xFFFFFFC0]  }
0x105: {  	v11 =	vld [tilespmem:s31+$0x30]  }
0x106: {  	v3 =	vmul.f32 $4.096000000e+03, v3  }
0x107: {  	v4 =	vmul.f32 $4.096000000e+03, v4;
	v5 =	vmul.f32 $4.096000000e+03, v5  }
0x108: {  	v6 =	vmul.f32 $4.096000000e+03, v6;
	v7 =	vmul.f32 $4.096000000e+03, v7  }
0x109: {  	v8 =	vmul.f32 $4.096000000e+03, v8;
	v9 =	vmul.f32 $4.096000000e+03, v9  }
0x10a: {  	v10 =	vmul.f32 $4.096000000e+03, v10;
	v11 =	vmul.f32 $4.096000000e+03, v11  }
0x10b: {  	v3 =	vtrunc.f32 v3;
	v4 =	vtrunc.f32 v4  }
0x10c: {  	v5 =	vtrunc.f32 v5;
	v6 =	vtrunc.f32 v6  }
0x10d: {  	v7 =	vtrunc.f32 v7;
	v8 =	vtrunc.f32 v8  }
0x10e: {  	v9 =	vtrunc.f32 v9;
	v10 =	vtrunc.f32 v10  }
0x10f: {  	v3 =	vcvt.f32.s32 v3;
	v4 =	vcvt.f32.s32 v4  }
0x110: {  	v5 =	vcvt.f32.s32 v5;
	v10 =	vcvt.f32.s32 v10  }
0x111: {  	v6 =	vcvt.f32.s32 v6;
	v7 =	vcvt.f32.s32 v7  }
0x112: {  	v8 =	vcvt.f32.s32 v8;
	v9 =	vcvt.f32.s32 v9  }
0x113: {  	v12 =	vld [tilespmem:s31+$0xFFFFFFD0];
	vm9 =	vlt.s32 v3, $0xFFF;
	vm10 =	vlt.s32 v4, $0xFFF;
	vm11 =	vlt.s32 v5, $0xFFF  }
0x114: {  	v13 =	vld [tilespmem:s31+$0xFFFFFFE0];
	vm12 =	vlt.s32 v10, $0xFFF;
	vm3 =	vlt.s32 v6, $0xFFF;
	vm13 =	vlt.s32 v7, $0xFFF  }
0x115: {  	vm4 =	vlt.s32 v8, $0xFFF;
	vm14 =	vlt.s32 v9, $0xFFF;
	v3 =	vnsel vm9, $0xFFF, v3  }
0x116: {  	v14 =	vld [tilespmem:s31+$0xFFFFFFF0];
	v10 =	vnsel vm12, $0xFFF, v10;
	v4 =	vnsel vm10, $0xFFF, v4;
	v5 =	vnsel vm11, $0xFFF, v5  }
0x117: {  	v15 =	vld [tilespmem:s31+$0x0];
	v6 =	vnsel vm3, $0xFFF, v6;
	v16 =	vnsel vm13, $0xFFF, v7;
	v18 =	vnsel vm4, $0xFFF, v8  }
0x118: {  	v17 =	vld [tilespmem:s31+$0x10];
	v19 =	vnsel vm14, $0xFFF, v9;
	v7 =	vmul.f32 $4.096000000e+03, v12;
	v3 =	vadd.s32 v1, v3  }
0x119: {  	v8 =	vtrunc.f32 v11;
	v11 =	vld [tilespmem:s31+$0xFFFFFFC0];
	v12 =	vmul.f32 $4.096000000e+03, v13;
	v10 =	vadd.s32 v1, v10  }
0x11a: {  	v9 =	vld [tilespmem:s31+$0x20];
	v4 =	vadd.s32 v1, v4;
	v8 =	vcvt.f32.s32 v8;
	v5 =	vadd.s32 v1, v5  }
0x11b: {  	v13 =	vtrunc.f32 v7;
	v7 =	vmul.f32 $4.096000000e+03, v14;
	v14 =	vadd.s32 v1, v6  }
0x11c: {  	v12 =	vtrunc.f32 v12;
	v6 =	vmul.f32 $4.096000000e+03, v15;
	vm15 =	vlt.s32 v8, $0xFFF  }
0x11d: {  	v12 =	vcvt.f32.s32 v12;
	v7 =	vtrunc.f32 v7;
	v15 =	vnsel vm15, $0xFFF, v8;
	[tilespmem:v3+s15+$0x0] =	vst.idx.add.s32.msk $0xffff, v2  }
0x11e: {  	v8 =	vtrunc.f32 v6;
	v6 =	vadd.s32 v1, v15;
	v15 =	vmul.f32 $4.096000000e+03, v11;
	[tilespmem:v10+s15+$0x0] =	vst.idx.add.s32.msk $0xffff, v2  }
0x11f: {  	v3 =	vmul.f32 $4.096000000e+03, v17;
	v10 =	vmul.f32 $4.096000000e+03, v9;
	[tilespmem:v4+s15+$0x0] =	vst.idx.add.s32.msk $0xffff, v2;
	v4 =	vadd.s32 v1, v16  }
0x120: {  	[tilespmem:v5+s15+$0x0] =	vst.idx.add.s32.msk $0xffff, v2;
	v9 =	vcvt.f32.s32 v13;
	v5 =	vadd.s32 v1, v18;
	v13 =	vtrunc.f32 v15  }
0x121: {  	s21 =	simm.s32 $0x4140;
	s20 =	simm.s32 $0x8;
	[tilespmem:v14+s15+$0x0] =	vst.idx.add.s32.msk $0xffff, v2;
	v11 =	vtrunc.f32 v3;
	v10 =	vtrunc.f32 v10;
	v3 =	vadd.s32 v1, v19  }
.LBB2_10:
0x122: {  	v14 =	vld [tilespmem:s21+$0x30];
	s20 =	sadd.s32 $0x8, s20;
	v13 =	vcvt.f32.s32 v13;
	vm0 =	vlt.s32 v9, $0xFFF;
	v7 =	vcvt.f32.s32 v7  }
0x123: {  	v8 =	vcvt.f32.s32 v8;
	v11 =	vcvt.f32.s32 v11;
	p0 =	slt.u32 s20, $0x3F8;
	vm1 =	vlt.s32 v12, $0xFFF;
	[tilespmem:v6+s15+$0x0] =	vst.idx.add.s32.msk $0xffff, v2  }
0x124: {  	v10 =	vcvt.f32.s32 v10;
	v6 =	vld [tilespmem:s21+$0xFFFFFFD0];
	vm2 =	vlt.s32 v13, $0xFFF;
	vm3 =	vlt.s32 v7, $0xFFF  }
0x125: {  	vm4 =	vlt.s32 v11, $0xFFF;
	v15 =	vld [tilespmem:s21+$0xFFFFFFE0];
	v13 =	vnsel vm2, $0xFFF, v13;
	vm2 =	vlt.s32 v8, $0xFFF  }
0x126: {  	v9 =	vnsel vm0, $0xFFF, v9;
	v12 =	vnsel vm1, $0xFFF, v12;
	vm0 =	vlt.s32 v10, $0xFFF;
	v16 =	vld [tilespmem:s21+$0xFFFFFFF0]  }
0x127: {  	v7 =	vnsel vm3, $0xFFF, v7;
	v18 =	vnsel vm2, $0xFFF, v8;
	v17 =	vld [tilespmem:s21+$0x0];
	v14 =	vmul.f32 $4.096000000e+03, v14  }
0x128: {  	v19 =	vnsel vm4, $0xFFF, v11;
	v20 =	vnsel vm0, $0xFFF, v10;
	v13 =	vadd.s32 v1, v13;
	v8 =	vld [tilespmem:s21+$0x10]  }
0x129: {  	v9 =	vadd.s32 v1, v9;
	v6 =	vmul.f32 $4.096000000e+03, v6;
	v10 =	vld [tilespmem:s21+$0x20];
	v11 =	vtrunc.f32 v14  }
0x12a: {  	v12 =	vadd.s32 v1, v12;
	v14 =	vld [tilespmem:s21+$0xFFFFFFC0];
	v15 =	vmul.f32 $4.096000000e+03, v15;
	v11 =	vcvt.f32.s32 v11  }
0x12b: {  	v21 =	vtrunc.f32 v6;
	v6 =	vmul.f32 $4.096000000e+03, v16;
	v16 =	vadd.s32 v1, v7;
	[tilespmem:v4+s15+$0x0] =	vst.idx.add.s32.msk $0xffff, v2  }
0x12c: {  	v15 =	vtrunc.f32 v15;
	v4 =	vmul.f32 $4.096000000e+03, v17;
	vm0 =	vlt.s32 v11, $0xFFF;
	[tilespmem:v5+s15+$0x0] =	vst.idx.add.s32.msk $0xffff, v2  }
.Ltmp4:
0x12d: {  	v7 =	vtrunc.f32 v6;
	v5 =	vmul.f32 $4.096000000e+03, v8;
	v6 =	vnsel vm0, $0xFFF, v11;
	[tilespmem:v13+s15+$0x0] =	vst.idx.add.s32.msk $0xffff, v2;
	(pc) =	sbr.rel @p0 .LBB2_10-.Ltmp4, $4  }
0x12e: {  	v8 =	vtrunc.f32 v4;
	v10 =	vmul.f32 $4.096000000e+03, v10;
	v6 =	vadd.s32 v1, v6;
	[tilespmem:v9+s15+$0x0] =	vst.idx.add.s32.msk $0xffff, v2  }
0x12f: {  	v4 =	vadd.s32 v1, v18;
	v13 =	vmul.f32 $4.096000000e+03, v14;
	v11 =	vtrunc.f32 v5;
	[tilespmem:v12+s15+$0x0] =	vst.idx.add.s32.msk $0xffff, v2  }
0x130: {  	v9 =	vcvt.f32.s32 v21;
	v5 =	vadd.s32 v1, v19;
	v10 =	vtrunc.f32 v10;
	[tilespmem:v16+s15+$0x0] =	vst.idx.add.s32.msk $0xffff, v2  }
0x131: {  	s21 =	sadd.s32 $0x80, s21;
	v12 =	vcvt.f32.s32 v15;
	v13 =	vtrunc.f32 v13;
	[tilespmem:v3+s15+$0x0] =	vst.idx.add.s32.msk $0xffff, v2;
	v3 =	vadd.s32 v1, v20  }
0x132: {  	v13 =	vcvt.f32.s32 v13;
	v7 =	vcvt.f32.s32 v7  }
0x133: {  	vm0 =	vlt.s32 v9, $0xFFF;
	v8 =	vcvt.f32.s32 v8;
	v11 =	vcvt.f32.s32 v11  }
0x134: {  	vm2 =	vlt.s32 v12, $0xFFF;
	v9 =	vnsel vm0, $0xFFF, v9;
	vm1 =	vlt.s32 v13, $0xFFF  }
0x135: {  	vm5 =	vlt.s32 v7, $0xFFF;
	v12 =	vnsel vm2, $0xFFF, v12;
	v9 =	vadd.s32 v1, v9  }
0x136: {  	[tilespmem:v6+s15+$0x0] =	vst.idx.add.s32.msk $0xffff, v2;
	v13 =	vnsel vm1, $0xFFF, v13;
	v6 =	vnsel vm5, $0xFFF, v7;
	v7 =	vadd.s32 v1, v12  }
0x137: {  	v10 =	vcvt.f32.s32 v10;
	[tilespmem:v4+s15+$0x0] =	vst.idx.add.s32.msk $0xffff, v2;
	vm6 =	vlt.s32 v8, $0xFFF;
	v13 =	vadd.s32 v1, v13  }
0x138: {  	[tilespmem:v5+s15+$0x0] =	vst.idx.add.s32.msk $0xffff, v2;
	vm7 =	vlt.s32 v11, $0xFFF;
	v4 =	vnsel vm6, $0xFFF, v8;
	v6 =	vadd.s32 v1, v6  }
0x139: {  	[tilespmem:v3+s15+$0x0] =	vst.idx.add.s32.msk $0xffff, v2;
	vm8 =	vlt.s32 v10, $0xFFF;
	v5 =	vnsel vm7, $0xFFF, v11;
	v4 =	vadd.s32 v1, v4  }
0x13a: {  	v8 =	vnsel vm8, $0xFFF, v10;
	v5 =	vadd.s32 v1, v5;
	[tilespmem:v9+s15+$0x0] =	vst.idx.add.s32.msk $0xffff, v2  }
0x13b: {  	[tilespmem:v7+s15+$0x0] =	vst.idx.add.s32.msk $0xffff, v2;
	v7 =	vadd.s32 v1, v8  }
0x13c: {  	[tilespmem:v13+s15+$0x0] =	vst.idx.add.s32.msk $0xffff, v2  }
0x13d: {  	[tilespmem:v6+s15+$0x0] =	vst.idx.add.s32.msk $0xffff, v2  }
0x13e: {  	[tilespmem:v4+s15+$0x0] =	vst.idx.add.s32.msk $0xffff, v2  }
0x13f: {  	[tilespmem:v5+s15+$0x0] =	vst.idx.add.s32.msk $0xffff, v2  }
0x140: {  	[tilespmem:v7+s15+$0x0] =	vst.idx.add.s32.msk $0xffff, v2  }
0x141: {  	[tilespmem:s13], [sflag:$0x2] =	stream.linear.gather [hbm4b:s8+s2], $0x4000, $0x38;
	[tilespmem:$0x19100] =	vst v63  }
0x142: {  	_ =	swait.ge [sflag:s14], $0x4000  }
0x143: {  	[sflag:s14] =	ssyncset.done $0x0  }
0x144: {  	s20 =	simm.s32 $0x40;
	[sflag:s14] =	ssyncadd.s32 $0xFFFFC000  }
0x145: {  	v3 =	vld [tilespmem:s20+$0x30]  }
0x146: {  	v4 =	vld [tilespmem:s20+$0xFFFFFFD0]  }
0x147: {  	v5 =	vld [tilespmem:s20+$0xFFFFFFE0]  }
0x148: {  	v6 =	vld [tilespmem:s20+$0xFFFFFFF0]  }
0x149: {  	v7 =	vld [tilespmem:s20+$0x0]  }
0x14a: {  	v8 =	vld [tilespmem:s20+$0x10]  }
0x14b: {  	v9 =	vld [tilespmem:s20+$0x20]  }
0x14c: {  	s31 =	simm.s32 $0xC0;
	v10 =	vld [tilespmem:s20+$0xFFFFFFC0]  }
0x14d: {  	v11 =	vld [tilespmem:s31+$0x30]  }
0x14e: {  	v3 =	vmul.f32 $4.096000000e+03, v3  }
0x14f: {  	v4 =	vmul.f32 $4.096000000e+03, v4;
	v5 =	vmul.f32 $4.096000000e+03, v5  }
0x150: {  	v6 =	vmul.f32 $4.096000000e+03, v6;
	v7 =	vmul.f32 $4.096000000e+03, v7  }
0x151: {  	v8 =	vmul.f32 $4.096000000e+03, v8;
	v9 =	vmul.f32 $4.096000000e+03, v9  }
0x152: {  	v10 =	vmul.f32 $4.096000000e+03, v10;
	v11 =	vmul.f32 $4.096000000e+03, v11  }
0x153: {  	v3 =	vtrunc.f32 v3;
	v4 =	vtrunc.f32 v4  }
0x154: {  	v5 =	vtrunc.f32 v5;
	v6 =	vtrunc.f32 v6  }
0x155: {  	v7 =	vtrunc.f32 v7;
	v8 =	vtrunc.f32 v8  }
0x156: {  	v9 =	vtrunc.f32 v9;
	v10 =	vtrunc.f32 v10  }
0x157: {  	v3 =	vcvt.f32.s32 v3;
	v4 =	vcvt.f32.s32 v4  }
0x158: {  	v5 =	vcvt.f32.s32 v5;
	v10 =	vcvt.f32.s32 v10  }
0x159: {  	v6 =	vcvt.f32.s32 v6;
	v7 =	vcvt.f32.s32 v7  }
0x15a: {  	v8 =	vcvt.f32.s32 v8;
	v9 =	vcvt.f32.s32 v9  }
0x15b: {  	v12 =	vld [tilespmem:s31+$0xFFFFFFD0];
	vm9 =	vlt.s32 v3, $0xFFF;
	vm10 =	vlt.s32 v4, $0xFFF;
	vm11 =	vlt.s32 v5, $0xFFF  }
0x15c: {  	v13 =	vld [tilespmem:s31+$0xFFFFFFE0];
	vm12 =	vlt.s32 v10, $0xFFF;
	vm3 =	vlt.s32 v6, $0xFFF;
	vm13 =	vlt.s32 v7, $0xFFF  }
0x15d: {  	vm4 =	vlt.s32 v8, $0xFFF;
	vm14 =	vlt.s32 v9, $0xFFF;
	v3 =	vnsel vm9, $0xFFF, v3  }
0x15e: {  	v14 =	vld [tilespmem:s31+$0xFFFFFFF0];
	v10 =	vnsel vm12, $0xFFF, v10;
	v4 =	vnsel vm10, $0xFFF, v4;
	v5 =	vnsel vm11, $0xFFF, v5  }
0x15f: {  	v15 =	vld [tilespmem:s31+$0x0];
	v6 =	vnsel vm3, $0xFFF, v6;
	v16 =	vnsel vm13, $0xFFF, v7;
	v18 =	vnsel vm4, $0xFFF, v8  }
0x160: {  	v17 =	vld [tilespmem:s31+$0x10];
	v19 =	vnsel vm14, $0xFFF, v9;
	v7 =	vmul.f32 $4.096000000e+03, v12;
	v3 =	vadd.s32 v1, v3  }
0x161: {  	v8 =	vtrunc.f32 v11;
	v11 =	vld [tilespmem:s31+$0xFFFFFFC0];
	v12 =	vmul.f32 $4.096000000e+03, v13;
	v10 =	vadd.s32 v1, v10  }
0x162: {  	v9 =	vld [tilespmem:s31+$0x20];
	v4 =	vadd.s32 v1, v4;
	v8 =	vcvt.f32.s32 v8;
	v5 =	vadd.s32 v1, v5  }
0x163: {  	v13 =	vtrunc.f32 v7;
	v7 =	vmul.f32 $4.096000000e+03, v14;
	v14 =	vadd.s32 v1, v6  }
0x164: {  	v12 =	vtrunc.f32 v12;
	v6 =	vmul.f32 $4.096000000e+03, v15;
	vm15 =	vlt.s32 v8, $0xFFF  }
0x165: {  	v12 =	vcvt.f32.s32 v12;
	v7 =	vtrunc.f32 v7;
	v15 =	vnsel vm15, $0xFFF, v8;
	[tilespmem:v3+s15+$0x0] =	vst.idx.add.s32.msk $0xffff, v2  }
0x166: {  	v8 =	vtrunc.f32 v6;
	v6 =	vadd.s32 v1, v15;
	v15 =	vmul.f32 $4.096000000e+03, v11;
	[tilespmem:v10+s15+$0x0] =	vst.idx.add.s32.msk $0xffff, v2  }
0x167: {  	v3 =	vmul.f32 $4.096000000e+03, v17;
	v10 =	vmul.f32 $4.096000000e+03, v9;
	[tilespmem:v4+s15+$0x0] =	vst.idx.add.s32.msk $0xffff, v2;
	v4 =	vadd.s32 v1, v16  }
0x168: {  	[tilespmem:v5+s15+$0x0] =	vst.idx.add.s32.msk $0xffff, v2;
	v9 =	vcvt.f32.s32 v13;
	v5 =	vadd.s32 v1, v18;
	v13 =	vtrunc.f32 v15  }
0x169: {  	s21 =	simm.s32 $0x140;
	s20 =	simm.s32 $0x8;
	[tilespmem:v14+s15+$0x0] =	vst.idx.add.s32.msk $0xffff, v2;
	v11 =	vtrunc.f32 v3;
	v10 =	vtrunc.f32 v10;
	v3 =	vadd.s32 v1, v19  }
.LBB2_12:
0x16a: {  	v14 =	vld [tilespmem:s21+$0x30];
	s20 =	sadd.s32 $0x8, s20;
	v13 =	vcvt.f32.s32 v13;
	vm0 =	vlt.s32 v9, $0xFFF;
	v7 =	vcvt.f32.s32 v7  }
0x16b: {  	v8 =	vcvt.f32.s32 v8;
	v11 =	vcvt.f32.s32 v11;
	p0 =	slt.u32 s20, $0x3F8;
	vm1 =	vlt.s32 v12, $0xFFF;
	[tilespmem:v6+s15+$0x0] =	vst.idx.add.s32.msk $0xffff, v2  }
0x16c: {  	v10 =	vcvt.f32.s32 v10;
	v6 =	vld [tilespmem:s21+$0xFFFFFFD0];
	vm2 =	vlt.s32 v13, $0xFFF;
	vm3 =	vlt.s32 v7, $0xFFF  }
0x16d: {  	vm4 =	vlt.s32 v11, $0xFFF;
	v15 =	vld [tilespmem:s21+$0xFFFFFFE0];
	v13 =	vnsel vm2, $0xFFF, v13;
	vm2 =	vlt.s32 v8, $0xFFF  }
0x16e: {  	v9 =	vnsel vm0, $0xFFF, v9;
	v12 =	vnsel vm1, $0xFFF, v12;
	vm0 =	vlt.s32 v10, $0xFFF;
	v16 =	vld [tilespmem:s21+$0xFFFFFFF0]  }
0x16f: {  	v7 =	vnsel vm3, $0xFFF, v7;
	v18 =	vnsel vm2, $0xFFF, v8;
	v17 =	vld [tilespmem:s21+$0x0];
	v14 =	vmul.f32 $4.096000000e+03, v14  }
0x170: {  	v19 =	vnsel vm4, $0xFFF, v11;
	v20 =	vnsel vm0, $0xFFF, v10;
	v13 =	vadd.s32 v1, v13;
	v8 =	vld [tilespmem:s21+$0x10]  }
0x171: {  	v9 =	vadd.s32 v1, v9;
	v6 =	vmul.f32 $4.096000000e+03, v6;
	v10 =	vld [tilespmem:s21+$0x20];
	v11 =	vtrunc.f32 v14  }
0x172: {  	v12 =	vadd.s32 v1, v12;
	v14 =	vld [tilespmem:s21+$0xFFFFFFC0];
	v15 =	vmul.f32 $4.096000000e+03, v15;
	v11 =	vcvt.f32.s32 v11  }
0x173: {  	v21 =	vtrunc.f32 v6;
	v6 =	vmul.f32 $4.096000000e+03, v16;
	v16 =	vadd.s32 v1, v7;
	[tilespmem:v4+s15+$0x0] =	vst.idx.add.s32.msk $0xffff, v2  }
0x174: {  	v15 =	vtrunc.f32 v15;
	v4 =	vmul.f32 $4.096000000e+03, v17;
	vm0 =	vlt.s32 v11, $0xFFF;
	[tilespmem:v5+s15+$0x0] =	vst.idx.add.s32.msk $0xffff, v2  }
.Ltmp5:
0x175: {  	v7 =	vtrunc.f32 v6;
	v5 =	vmul.f32 $4.096000000e+03, v8;
	v6 =	vnsel vm0, $0xFFF, v11;
	[tilespmem:v13+s15+$0x0] =	vst.idx.add.s32.msk $0xffff, v2;
	(pc) =	sbr.rel @p0 .LBB2_12-.Ltmp5, $4  }
0x176: {  	v8 =	vtrunc.f32 v4;
	v10 =	vmul.f32 $4.096000000e+03, v10;
	v6 =	vadd.s32 v1, v6;
	[tilespmem:v9+s15+$0x0] =	vst.idx.add.s32.msk $0xffff, v2  }
0x177: {  	v4 =	vadd.s32 v1, v18;
	v13 =	vmul.f32 $4.096000000e+03, v14;
	v11 =	vtrunc.f32 v5;
	[tilespmem:v12+s15+$0x0] =	vst.idx.add.s32.msk $0xffff, v2  }
0x178: {  	v9 =	vcvt.f32.s32 v21;
	v5 =	vadd.s32 v1, v19;
	v10 =	vtrunc.f32 v10;
	[tilespmem:v16+s15+$0x0] =	vst.idx.add.s32.msk $0xffff, v2  }
0x179: {  	s21 =	sadd.s32 $0x80, s21;
	v12 =	vcvt.f32.s32 v15;
	v13 =	vtrunc.f32 v13;
	[tilespmem:v3+s15+$0x0] =	vst.idx.add.s32.msk $0xffff, v2;
	v3 =	vadd.s32 v1, v20  }
0x17a: {  	v13 =	vcvt.f32.s32 v13;
	v7 =	vcvt.f32.s32 v7  }
0x17b: {  	vm0 =	vlt.s32 v9, $0xFFF;
	v8 =	vcvt.f32.s32 v8;
	v11 =	vcvt.f32.s32 v11  }
0x17c: {  	vm2 =	vlt.s32 v12, $0xFFF;
	v9 =	vnsel vm0, $0xFFF, v9;
	vm1 =	vlt.s32 v13, $0xFFF  }
0x17d: {  	vm5 =	vlt.s32 v7, $0xFFF;
	v12 =	vnsel vm2, $0xFFF, v12;
	v9 =	vadd.s32 v1, v9  }
0x17e: {  	[tilespmem:v6+s15+$0x0] =	vst.idx.add.s32.msk $0xffff, v2;
	v13 =	vnsel vm1, $0xFFF, v13;
	v6 =	vnsel vm5, $0xFFF, v7;
	v7 =	vadd.s32 v1, v12  }
0x17f: {  	v10 =	vcvt.f32.s32 v10;
	[tilespmem:v4+s15+$0x0] =	vst.idx.add.s32.msk $0xffff, v2;
	vm6 =	vlt.s32 v8, $0xFFF;
	v13 =	vadd.s32 v1, v13  }
0x180: {  	[tilespmem:v5+s15+$0x0] =	vst.idx.add.s32.msk $0xffff, v2;
	vm7 =	vlt.s32 v11, $0xFFF;
	v4 =	vnsel vm6, $0xFFF, v8;
	v6 =	vadd.s32 v1, v6  }
0x181: {  	[tilespmem:v3+s15+$0x0] =	vst.idx.add.s32.msk $0xffff, v2;
	vm8 =	vlt.s32 v10, $0xFFF;
	v5 =	vnsel vm7, $0xFFF, v11;
	v4 =	vadd.s32 v1, v4  }
0x182: {  	v8 =	vnsel vm8, $0xFFF, v10;
	v5 =	vadd.s32 v1, v5;
	[tilespmem:v9+s15+$0x0] =	vst.idx.add.s32.msk $0xffff, v2  }
0x183: {  	[tilespmem:v7+s15+$0x0] =	vst.idx.add.s32.msk $0xffff, v2;
	v7 =	vadd.s32 v1, v8  }
0x184: {  	[tilespmem:v13+s15+$0x0] =	vst.idx.add.s32.msk $0xffff, v2  }
0x185: {  	[tilespmem:v6+s15+$0x0] =	vst.idx.add.s32.msk $0xffff, v2  }
0x186: {  	[tilespmem:v4+s15+$0x0] =	vst.idx.add.s32.msk $0xffff, v2  }
0x187: {  	[tilespmem:v5+s15+$0x0] =	vst.idx.add.s32.msk $0xffff, v2  }
0x188: {  	[tilespmem:v7+s15+$0x0] =	vst.idx.add.s32.msk $0xffff, v2  }
0x189: {  	[tilespmem:s2], [sflag:$0x1] =	stream.linear.gather [hbm4b:s9+s2], $0x4000, $0x38;
	[tilespmem:$0x19100] =	vst v63  }
0x18a: {  	_ =	swait.ge [sflag:s16], $0x4000  }
0x18b: {  	[sflag:s16] =	ssyncset.done $0x0  }
0x18c: {  	s20 =	simm.s32 $0x4040;
	[sflag:s16] =	ssyncadd.s32 $0xFFFFC000  }
0x18d: {  	v3 =	vld [tilespmem:s20+$0x30]  }
0x18e: {  	v4 =	vld [tilespmem:s20+$0xFFFFFFD0]  }
0x18f: {  	v5 =	vld [tilespmem:s20+$0xFFFFFFE0]  }
0x190: {  	v6 =	vld [tilespmem:s20+$0xFFFFFFF0]  }
0x191: {  	v7 =	vld [tilespmem:s20+$0x0]  }
0x192: {  	v8 =	vld [tilespmem:s20+$0x10]  }
0x193: {  	v9 =	vld [tilespmem:s20+$0x20]  }
0x194: {  	s31 =	simm.s32 $0x40C0;
	v10 =	vld [tilespmem:s20+$0xFFFFFFC0]  }
0x195: {  	v11 =	vld [tilespmem:s31+$0x30]  }
0x196: {  	v3 =	vmul.f32 $4.096000000e+03, v3  }
0x197: {  	v4 =	vmul.f32 $4.096000000e+03, v4;
	v5 =	vmul.f32 $4.096000000e+03, v5  }
0x198: {  	v6 =	vmul.f32 $4.096000000e+03, v6;
	v7 =	vmul.f32 $4.096000000e+03, v7  }
0x199: {  	v8 =	vmul.f32 $4.096000000e+03, v8;
	v9 =	vmul.f32 $4.096000000e+03, v9  }
0x19a: {  	v10 =	vmul.f32 $4.096000000e+03, v10;
	v11 =	vmul.f32 $4.096000000e+03, v11  }
0x19b: {  	v3 =	vtrunc.f32 v3;
	v4 =	vtrunc.f32 v4  }
0x19c: {  	v5 =	vtrunc.f32 v5;
	v6 =	vtrunc.f32 v6  }
0x19d: {  	v7 =	vtrunc.f32 v7;
	v8 =	vtrunc.f32 v8  }
0x19e: {  	v9 =	vtrunc.f32 v9;
	v10 =	vtrunc.f32 v10  }
0x19f: {  	v3 =	vcvt.f32.s32 v3;
	v4 =	vcvt.f32.s32 v4  }
0x1a0: {  	v5 =	vcvt.f32.s32 v5;
	v10 =	vcvt.f32.s32 v10  }
0x1a1: {  	v6 =	vcvt.f32.s32 v6;
	v7 =	vcvt.f32.s32 v7  }
0x1a2: {  	v8 =	vcvt.f32.s32 v8;
	v9 =	vcvt.f32.s32 v9  }
0x1a3: {  	v12 =	vld [tilespmem:s31+$0xFFFFFFD0];
	vm9 =	vlt.s32 v3, $0xFFF;
	vm10 =	vlt.s32 v4, $0xFFF;
	vm11 =	vlt.s32 v5, $0xFFF  }
0x1a4: {  	v13 =	vld [tilespmem:s31+$0xFFFFFFE0];
	vm12 =	vlt.s32 v10, $0xFFF;
	vm3 =	vlt.s32 v6, $0xFFF;
	vm13 =	vlt.s32 v7, $0xFFF  }
0x1a5: {  	vm4 =	vlt.s32 v8, $0xFFF;
	vm14 =	vlt.s32 v9, $0xFFF;
	v3 =	vnsel vm9, $0xFFF, v3  }
0x1a6: {  	v14 =	vld [tilespmem:s31+$0xFFFFFFF0];
	v10 =	vnsel vm12, $0xFFF, v10;
	v4 =	vnsel vm10, $0xFFF, v4;
	v5 =	vnsel vm11, $0xFFF, v5  }
0x1a7: {  	v15 =	vld [tilespmem:s31+$0x0];
	v6 =	vnsel vm3, $0xFFF, v6;
	v16 =	vnsel vm13, $0xFFF, v7;
	v18 =	vnsel vm4, $0xFFF, v8  }
0x1a8: {  	v17 =	vld [tilespmem:s31+$0x10];
	v19 =	vnsel vm14, $0xFFF, v9;
	v7 =	vmul.f32 $4.096000000e+03, v12;
	v3 =	vadd.s32 v1, v3  }
0x1a9: {  	v8 =	vtrunc.f32 v11;
	v11 =	vld [tilespmem:s31+$0xFFFFFFC0];
	v12 =	vmul.f32 $4.096000000e+03, v13;
	v10 =	vadd.s32 v1, v10  }
0x1aa: {  	v9 =	vld [tilespmem:s31+$0x20];
	v4 =	vadd.s32 v1, v4;
	v8 =	vcvt.f32.s32 v8;
	v5 =	vadd.s32 v1, v5  }
0x1ab: {  	v13 =	vtrunc.f32 v7;
	v7 =	vmul.f32 $4.096000000e+03, v14;
	v14 =	vadd.s32 v1, v6  }
0x1ac: {  	v12 =	vtrunc.f32 v12;
	v6 =	vmul.f32 $4.096000000e+03, v15;
	vm15 =	vlt.s32 v8, $0xFFF  }
0x1ad: {  	v12 =	vcvt.f32.s32 v12;
	v7 =	vtrunc.f32 v7;
	v15 =	vnsel vm15, $0xFFF, v8;
	[tilespmem:v3+s15+$0x0] =	vst.idx.add.s32.msk $0xffff, v2  }
0x1ae: {  	v8 =	vtrunc.f32 v6;
	v6 =	vadd.s32 v1, v15;
	v15 =	vmul.f32 $4.096000000e+03, v11;
	[tilespmem:v10+s15+$0x0] =	vst.idx.add.s32.msk $0xffff, v2  }
0x1af: {  	v3 =	vmul.f32 $4.096000000e+03, v17;
	v10 =	vmul.f32 $4.096000000e+03, v9;
	[tilespmem:v4+s15+$0x0] =	vst.idx.add.s32.msk $0xffff, v2;
	v4 =	vadd.s32 v1, v16  }
0x1b0: {  	[tilespmem:v5+s15+$0x0] =	vst.idx.add.s32.msk $0xffff, v2;
	v9 =	vcvt.f32.s32 v13;
	v5 =	vadd.s32 v1, v18;
	v13 =	vtrunc.f32 v15  }
0x1b1: {  	s21 =	simm.s32 $0x4140;
	s20 =	simm.s32 $0x8;
	[tilespmem:v14+s15+$0x0] =	vst.idx.add.s32.msk $0xffff, v2;
	v11 =	vtrunc.f32 v3;
	v10 =	vtrunc.f32 v10;
	v3 =	vadd.s32 v1, v19  }
.LBB2_14:
0x1b2: {  	v14 =	vld [tilespmem:s21+$0x30];
	s20 =	sadd.s32 $0x8, s20;
	v13 =	vcvt.f32.s32 v13;
	vm0 =	vlt.s32 v9, $0xFFF;
	v7 =	vcvt.f32.s32 v7  }
0x1b3: {  	v8 =	vcvt.f32.s32 v8;
	v11 =	vcvt.f32.s32 v11;
	p0 =	slt.u32 s20, $0x3F8;
	vm1 =	vlt.s32 v12, $0xFFF;
	[tilespmem:v6+s15+$0x0] =	vst.idx.add.s32.msk $0xffff, v2  }
0x1b4: {  	v10 =	vcvt.f32.s32 v10;
	v6 =	vld [tilespmem:s21+$0xFFFFFFD0];
	vm2 =	vlt.s32 v13, $0xFFF;
	vm3 =	vlt.s32 v7, $0xFFF  }
0x1b5: {  	vm4 =	vlt.s32 v11, $0xFFF;
	v15 =	vld [tilespmem:s21+$0xFFFFFFE0];
	v13 =	vnsel vm2, $0xFFF, v13;
	vm2 =	vlt.s32 v8, $0xFFF  }
0x1b6: {  	v9 =	vnsel vm0, $0xFFF, v9;
	v12 =	vnsel vm1, $0xFFF, v12;
	vm0 =	vlt.s32 v10, $0xFFF;
	v16 =	vld [tilespmem:s21+$0xFFFFFFF0]  }
0x1b7: {  	v7 =	vnsel vm3, $0xFFF, v7;
	v18 =	vnsel vm2, $0xFFF, v8;
	v17 =	vld [tilespmem:s21+$0x0];
	v14 =	vmul.f32 $4.096000000e+03, v14  }
0x1b8: {  	v19 =	vnsel vm4, $0xFFF, v11;
	v20 =	vnsel vm0, $0xFFF, v10;
	v13 =	vadd.s32 v1, v13;
	v8 =	vld [tilespmem:s21+$0x10]  }
0x1b9: {  	v9 =	vadd.s32 v1, v9;
	v6 =	vmul.f32 $4.096000000e+03, v6;
	v10 =	vld [tilespmem:s21+$0x20];
	v11 =	vtrunc.f32 v14  }
0x1ba: {  	v12 =	vadd.s32 v1, v12;
	v14 =	vld [tilespmem:s21+$0xFFFFFFC0];
	v15 =	vmul.f32 $4.096000000e+03, v15;
	v11 =	vcvt.f32.s32 v11  }
0x1bb: {  	v21 =	vtrunc.f32 v6;
	v6 =	vmul.f32 $4.096000000e+03, v16;
	v16 =	vadd.s32 v1, v7;
	[tilespmem:v4+s15+$0x0] =	vst.idx.add.s32.msk $0xffff, v2  }
0x1bc: {  	v15 =	vtrunc.f32 v15;
	v4 =	vmul.f32 $4.096000000e+03, v17;
	vm0 =	vlt.s32 v11, $0xFFF;
	[tilespmem:v5+s15+$0x0] =	vst.idx.add.s32.msk $0xffff, v2  }
.Ltmp6:
0x1bd: {  	v7 =	vtrunc.f32 v6;
	v5 =	vmul.f32 $4.096000000e+03, v8;
	v6 =	vnsel vm0, $0xFFF, v11;
	[tilespmem:v13+s15+$0x0] =	vst.idx.add.s32.msk $0xffff, v2;
	(pc) =	sbr.rel @p0 .LBB2_14-.Ltmp6, $4  }
0x1be: {  	v8 =	vtrunc.f32 v4;
	v10 =	vmul.f32 $4.096000000e+03, v10;
	v6 =	vadd.s32 v1, v6;
	[tilespmem:v9+s15+$0x0] =	vst.idx.add.s32.msk $0xffff, v2  }
0x1bf: {  	v4 =	vadd.s32 v1, v18;
	v13 =	vmul.f32 $4.096000000e+03, v14;
	v11 =	vtrunc.f32 v5;
	[tilespmem:v12+s15+$0x0] =	vst.idx.add.s32.msk $0xffff, v2  }
0x1c0: {  	v9 =	vcvt.f32.s32 v21;
	v5 =	vadd.s32 v1, v19;
	v10 =	vtrunc.f32 v10;
	[tilespmem:v16+s15+$0x0] =	vst.idx.add.s32.msk $0xffff, v2  }
0x1c1: {  	s21 =	sadd.s32 $0x80, s21;
	v12 =	vcvt.f32.s32 v15;
	v13 =	vtrunc.f32 v13;
	[tilespmem:v3+s15+$0x0] =	vst.idx.add.s32.msk $0xffff, v2;
	v3 =	vadd.s32 v1, v20  }
0x1c2: {  	v13 =	vcvt.f32.s32 v13;
	v7 =	vcvt.f32.s32 v7  }
0x1c3: {  	vm0 =	vlt.s32 v9, $0xFFF;
	v8 =	vcvt.f32.s32 v8;
	v11 =	vcvt.f32.s32 v11  }
0x1c4: {  	vm2 =	vlt.s32 v12, $0xFFF;
	v9 =	vnsel vm0, $0xFFF, v9;
	vm1 =	vlt.s32 v13, $0xFFF  }
0x1c5: {  	vm5 =	vlt.s32 v7, $0xFFF;
	v12 =	vnsel vm2, $0xFFF, v12;
	v9 =	vadd.s32 v1, v9  }
0x1c6: {  	[tilespmem:v6+s15+$0x0] =	vst.idx.add.s32.msk $0xffff, v2;
	v13 =	vnsel vm1, $0xFFF, v13;
	v6 =	vnsel vm5, $0xFFF, v7;
	v7 =	vadd.s32 v1, v12  }
0x1c7: {  	v10 =	vcvt.f32.s32 v10;
	[tilespmem:v4+s15+$0x0] =	vst.idx.add.s32.msk $0xffff, v2;
	vm6 =	vlt.s32 v8, $0xFFF;
	v13 =	vadd.s32 v1, v13  }
0x1c8: {  	[tilespmem:v5+s15+$0x0] =	vst.idx.add.s32.msk $0xffff, v2;
	vm7 =	vlt.s32 v11, $0xFFF;
	v4 =	vnsel vm6, $0xFFF, v8;
	v6 =	vadd.s32 v1, v6  }
0x1c9: {  	[tilespmem:v3+s15+$0x0] =	vst.idx.add.s32.msk $0xffff, v2;
	vm8 =	vlt.s32 v10, $0xFFF;
	v5 =	vnsel vm7, $0xFFF, v11;
	v4 =	vadd.s32 v1, v4  }
0x1ca: {  	v8 =	vnsel vm8, $0xFFF, v10;
	v5 =	vadd.s32 v1, v5;
	[tilespmem:v9+s15+$0x0] =	vst.idx.add.s32.msk $0xffff, v2  }
0x1cb: {  	[tilespmem:v7+s15+$0x0] =	vst.idx.add.s32.msk $0xffff, v2;
	v7 =	vadd.s32 v1, v8  }
0x1cc: {  	[tilespmem:v13+s15+$0x0] =	vst.idx.add.s32.msk $0xffff, v2  }
0x1cd: {  	[tilespmem:v6+s15+$0x0] =	vst.idx.add.s32.msk $0xffff, v2  }
0x1ce: {  	[tilespmem:v4+s15+$0x0] =	vst.idx.add.s32.msk $0xffff, v2  }
0x1cf: {  	[tilespmem:v5+s15+$0x0] =	vst.idx.add.s32.msk $0xffff, v2  }
0x1d0: {  	[tilespmem:v7+s15+$0x0] =	vst.idx.add.s32.msk $0xffff, v2  }
0x1d1: {  	[tilespmem:s13], [sflag:$0x2] =	stream.linear.gather [hbm4b:s10+s2], $0x4000, $0x38;
	[tilespmem:$0x19100] =	vst v63  }
0x1d2: {  	_ =	swait.ge [sflag:s14], $0x4000  }
0x1d3: {  	[sflag:s14] =	ssyncset.done $0x0  }
0x1d4: {  	s20 =	simm.s32 $0x40;
	[sflag:s14] =	ssyncadd.s32 $0xFFFFC000  }
0x1d5: {  	v3 =	vld [tilespmem:s20+$0x30]  }
0x1d6: {  	v4 =	vld [tilespmem:s20+$0xFFFFFFD0]  }
0x1d7: {  	v5 =	vld [tilespmem:s20+$0xFFFFFFE0]  }
0x1d8: {  	v6 =	vld [tilespmem:s20+$0xFFFFFFF0]  }
0x1d9: {  	v7 =	vld [tilespmem:s20+$0x0]  }
0x1da: {  	v8 =	vld [tilespmem:s20+$0x10]  }
0x1db: {  	v9 =	vld [tilespmem:s20+$0x20]  }
0x1dc: {  	s31 =	simm.s32 $0xC0;
	v10 =	vld [tilespmem:s20+$0xFFFFFFC0]  }
0x1dd: {  	v11 =	vld [tilespmem:s31+$0x30]  }
0x1de: {  	v3 =	vmul.f32 $4.096000000e+03, v3  }
0x1df: {  	v4 =	vmul.f32 $4.096000000e+03, v4;
	v5 =	vmul.f32 $4.096000000e+03, v5  }
0x1e0: {  	v6 =	vmul.f32 $4.096000000e+03, v6;
	v7 =	vmul.f32 $4.096000000e+03, v7  }
0x1e1: {  	v8 =	vmul.f32 $4.096000000e+03, v8;
	v9 =	vmul.f32 $4.096000000e+03, v9  }
0x1e2: {  	v10 =	vmul.f32 $4.096000000e+03, v10;
	v11 =	vmul.f32 $4.096000000e+03, v11  }
0x1e3: {  	v3 =	vtrunc.f32 v3;
	v4 =	vtrunc.f32 v4  }
0x1e4: {  	v5 =	vtrunc.f32 v5;
	v6 =	vtrunc.f32 v6  }
0x1e5: {  	v7 =	vtrunc.f32 v7;
	v8 =	vtrunc.f32 v8  }
0x1e6: {  	v9 =	vtrunc.f32 v9;
	v10 =	vtrunc.f32 v10  }
0x1e7: {  	v3 =	vcvt.f32.s32 v3;
	v4 =	vcvt.f32.s32 v4  }
0x1e8: {  	v5 =	vcvt.f32.s32 v5;
	v10 =	vcvt.f32.s32 v10  }
0x1e9: {  	v6 =	vcvt.f32.s32 v6;
	v7 =	vcvt.f32.s32 v7  }
0x1ea: {  	v8 =	vcvt.f32.s32 v8;
	v9 =	vcvt.f32.s32 v9  }
0x1eb: {  	v12 =	vld [tilespmem:s31+$0xFFFFFFD0];
	vm9 =	vlt.s32 v3, $0xFFF;
	vm10 =	vlt.s32 v4, $0xFFF;
	vm11 =	vlt.s32 v5, $0xFFF  }
0x1ec: {  	v13 =	vld [tilespmem:s31+$0xFFFFFFE0];
	vm12 =	vlt.s32 v10, $0xFFF;
	vm3 =	vlt.s32 v6, $0xFFF;
	vm13 =	vlt.s32 v7, $0xFFF  }
0x1ed: {  	vm4 =	vlt.s32 v8, $0xFFF;
	vm14 =	vlt.s32 v9, $0xFFF;
	v3 =	vnsel vm9, $0xFFF, v3  }
0x1ee: {  	v14 =	vld [tilespmem:s31+$0xFFFFFFF0];
	v10 =	vnsel vm12, $0xFFF, v10;
	v4 =	vnsel vm10, $0xFFF, v4;
	v5 =	vnsel vm11, $0xFFF, v5  }
0x1ef: {  	v15 =	vld [tilespmem:s31+$0x0];
	v6 =	vnsel vm3, $0xFFF, v6;
	v16 =	vnsel vm13, $0xFFF, v7;
	v18 =	vnsel vm4, $0xFFF, v8  }
0x1f0: {  	v17 =	vld [tilespmem:s31+$0x10];
	v19 =	vnsel vm14, $0xFFF, v9;
	v7 =	vmul.f32 $4.096000000e+03, v12;
	v3 =	vadd.s32 v1, v3  }
0x1f1: {  	v8 =	vtrunc.f32 v11;
	v11 =	vld [tilespmem:s31+$0xFFFFFFC0];
	v12 =	vmul.f32 $4.096000000e+03, v13;
	v10 =	vadd.s32 v1, v10  }
0x1f2: {  	v9 =	vld [tilespmem:s31+$0x20];
	v4 =	vadd.s32 v1, v4;
	v8 =	vcvt.f32.s32 v8;
	v5 =	vadd.s32 v1, v5  }
0x1f3: {  	v13 =	vtrunc.f32 v7;
	v7 =	vmul.f32 $4.096000000e+03, v14;
	v14 =	vadd.s32 v1, v6  }
0x1f4: {  	v12 =	vtrunc.f32 v12;
	v6 =	vmul.f32 $4.096000000e+03, v15;
	vm15 =	vlt.s32 v8, $0xFFF  }
0x1f5: {  	v12 =	vcvt.f32.s32 v12;
	v7 =	vtrunc.f32 v7;
	v15 =	vnsel vm15, $0xFFF, v8;
	[tilespmem:v3+s15+$0x0] =	vst.idx.add.s32.msk $0xffff, v2  }
0x1f6: {  	v8 =	vtrunc.f32 v6;
	v6 =	vadd.s32 v1, v15;
	v15 =	vmul.f32 $4.096000000e+03, v11;
	[tilespmem:v10+s15+$0x0] =	vst.idx.add.s32.msk $0xffff, v2  }
0x1f7: {  	v3 =	vmul.f32 $4.096000000e+03, v17;
	v10 =	vmul.f32 $4.096000000e+03, v9;
	[tilespmem:v4+s15+$0x0] =	vst.idx.add.s32.msk $0xffff, v2;
	v4 =	vadd.s32 v1, v16  }
0x1f8: {  	[tilespmem:v5+s15+$0x0] =	vst.idx.add.s32.msk $0xffff, v2;
	v9 =	vcvt.f32.s32 v13;
	v5 =	vadd.s32 v1, v18;
	v13 =	vtrunc.f32 v15  }
0x1f9: {  	s21 =	simm.s32 $0x140;
	s20 =	simm.s32 $0x8;
	[tilespmem:v14+s15+$0x0] =	vst.idx.add.s32.msk $0xffff, v2;
	v11 =	vtrunc.f32 v3;
	v10 =	vtrunc.f32 v10;
	v3 =	vadd.s32 v1, v19  }
.LBB2_16:
0x1fa: {  	v14 =	vld [tilespmem:s21+$0x30];
	s20 =	sadd.s32 $0x8, s20;
	v13 =	vcvt.f32.s32 v13;
	vm0 =	vlt.s32 v9, $0xFFF;
	v7 =	vcvt.f32.s32 v7  }
0x1fb: {  	v8 =	vcvt.f32.s32 v8;
	v11 =	vcvt.f32.s32 v11;
	p0 =	slt.u32 s20, $0x3F8;
	vm1 =	vlt.s32 v12, $0xFFF;
	[tilespmem:v6+s15+$0x0] =	vst.idx.add.s32.msk $0xffff, v2  }
0x1fc: {  	v10 =	vcvt.f32.s32 v10;
	v6 =	vld [tilespmem:s21+$0xFFFFFFD0];
	vm2 =	vlt.s32 v13, $0xFFF;
	vm3 =	vlt.s32 v7, $0xFFF  }
0x1fd: {  	vm4 =	vlt.s32 v11, $0xFFF;
	v15 =	vld [tilespmem:s21+$0xFFFFFFE0];
	v13 =	vnsel vm2, $0xFFF, v13;
	vm2 =	vlt.s32 v8, $0xFFF  }
0x1fe: {  	v9 =	vnsel vm0, $0xFFF, v9;
	v12 =	vnsel vm1, $0xFFF, v12;
	vm0 =	vlt.s32 v10, $0xFFF;
	v16 =	vld [tilespmem:s21+$0xFFFFFFF0]  }
0x1ff: {  	v7 =	vnsel vm3, $0xFFF, v7;
	v18 =	vnsel vm2, $0xFFF, v8;
	v17 =	vld [tilespmem:s21+$0x0];
	v14 =	vmul.f32 $4.096000000e+03, v14  }
0x200: {  	v19 =	vnsel vm4, $0xFFF, v11;
	v20 =	vnsel vm0, $0xFFF, v10;
	v13 =	vadd.s32 v1, v13;
	v8 =	vld [tilespmem:s21+$0x10]  }
0x201: {  	v9 =	vadd.s32 v1, v9;
	v6 =	vmul.f32 $4.096000000e+03, v6;
	v10 =	vld [tilespmem:s21+$0x20];
	v11 =	vtrunc.f32 v14  }
0x202: {  	v12 =	vadd.s32 v1, v12;
	v14 =	vld [tilespmem:s21+$0xFFFFFFC0];
	v15 =	vmul.f32 $4.096000000e+03, v15;
	v11 =	vcvt.f32.s32 v11  }
0x203: {  	v21 =	vtrunc.f32 v6;
	v6 =	vmul.f32 $4.096000000e+03, v16;
	v16 =	vadd.s32 v1, v7;
	[tilespmem:v4+s15+$0x0] =	vst.idx.add.s32.msk $0xffff, v2  }
0x204: {  	v15 =	vtrunc.f32 v15;
	v4 =	vmul.f32 $4.096000000e+03, v17;
	vm0 =	vlt.s32 v11, $0xFFF;
	[tilespmem:v5+s15+$0x0] =	vst.idx.add.s32.msk $0xffff, v2  }
.Ltmp7:
0x205: {  	v7 =	vtrunc.f32 v6;
	v5 =	vmul.f32 $4.096000000e+03, v8;
	v6 =	vnsel vm0, $0xFFF, v11;
	[tilespmem:v13+s15+$0x0] =	vst.idx.add.s32.msk $0xffff, v2;
	(pc) =	sbr.rel @p0 .LBB2_16-.Ltmp7, $4  }
0x206: {  	v8 =	vtrunc.f32 v4;
	v10 =	vmul.f32 $4.096000000e+03, v10;
	v6 =	vadd.s32 v1, v6;
	[tilespmem:v9+s15+$0x0] =	vst.idx.add.s32.msk $0xffff, v2  }
0x207: {  	v4 =	vadd.s32 v1, v18;
	v13 =	vmul.f32 $4.096000000e+03, v14;
	v11 =	vtrunc.f32 v5;
	[tilespmem:v12+s15+$0x0] =	vst.idx.add.s32.msk $0xffff, v2  }
0x208: {  	v9 =	vcvt.f32.s32 v21;
	v5 =	vadd.s32 v1, v19;
	v10 =	vtrunc.f32 v10;
	[tilespmem:v16+s15+$0x0] =	vst.idx.add.s32.msk $0xffff, v2  }
0x209: {  	s21 =	sadd.s32 $0x80, s21;
	v12 =	vcvt.f32.s32 v15;
	v13 =	vtrunc.f32 v13;
	[tilespmem:v3+s15+$0x0] =	vst.idx.add.s32.msk $0xffff, v2;
	v3 =	vadd.s32 v1, v20  }
0x20a: {  	v13 =	vcvt.f32.s32 v13;
	v7 =	vcvt.f32.s32 v7  }
0x20b: {  	vm0 =	vlt.s32 v9, $0xFFF;
	v8 =	vcvt.f32.s32 v8;
	v11 =	vcvt.f32.s32 v11  }
0x20c: {  	vm2 =	vlt.s32 v12, $0xFFF;
	v9 =	vnsel vm0, $0xFFF, v9;
	vm1 =	vlt.s32 v13, $0xFFF  }
0x20d: {  	vm5 =	vlt.s32 v7, $0xFFF;
	v12 =	vnsel vm2, $0xFFF, v12;
	v9 =	vadd.s32 v1, v9  }
0x20e: {  	[tilespmem:v6+s15+$0x0] =	vst.idx.add.s32.msk $0xffff, v2;
	v13 =	vnsel vm1, $0xFFF, v13;
	v6 =	vnsel vm5, $0xFFF, v7;
	v7 =	vadd.s32 v1, v12  }
0x20f: {  	v10 =	vcvt.f32.s32 v10;
	[tilespmem:v4+s15+$0x0] =	vst.idx.add.s32.msk $0xffff, v2;
	vm6 =	vlt.s32 v8, $0xFFF;
	v13 =	vadd.s32 v1, v13  }
0x210: {  	[tilespmem:v5+s15+$0x0] =	vst.idx.add.s32.msk $0xffff, v2;
	vm7 =	vlt.s32 v11, $0xFFF;
	v4 =	vnsel vm6, $0xFFF, v8;
	v6 =	vadd.s32 v1, v6  }
0x211: {  	[tilespmem:v3+s15+$0x0] =	vst.idx.add.s32.msk $0xffff, v2;
	vm8 =	vlt.s32 v10, $0xFFF;
	v5 =	vnsel vm7, $0xFFF, v11;
	v4 =	vadd.s32 v1, v4  }
0x212: {  	v8 =	vnsel vm8, $0xFFF, v10;
	v5 =	vadd.s32 v1, v5;
	[tilespmem:v9+s15+$0x0] =	vst.idx.add.s32.msk $0xffff, v2  }
0x213: {  	[tilespmem:v7+s15+$0x0] =	vst.idx.add.s32.msk $0xffff, v2;
	v7 =	vadd.s32 v1, v8  }
0x214: {  	[tilespmem:v13+s15+$0x0] =	vst.idx.add.s32.msk $0xffff, v2  }
0x215: {  	[tilespmem:v6+s15+$0x0] =	vst.idx.add.s32.msk $0xffff, v2  }
0x216: {  	[tilespmem:v4+s15+$0x0] =	vst.idx.add.s32.msk $0xffff, v2  }
0x217: {  	[tilespmem:v5+s15+$0x0] =	vst.idx.add.s32.msk $0xffff, v2  }
0x218: {  	[tilespmem:v7+s15+$0x0] =	vst.idx.add.s32.msk $0xffff, v2  }
0x219: {  	_ =	swait.ge [sflag:s16], $0x4000  }
0x21a: {  	[sflag:s16] =	ssyncset.done $0x0  }
0x21b: {  	s20 =	simm.s32 $0x4040;
	[sflag:s16] =	ssyncadd.s32 $0xFFFFC000  }
0x21c: {  	v3 =	vld [tilespmem:s20+$0x30]  }
0x21d: {  	v4 =	vld [tilespmem:s20+$0xFFFFFFD0]  }
0x21e: {  	v5 =	vld [tilespmem:s20+$0xFFFFFFE0]  }
0x21f: {  	v6 =	vld [tilespmem:s20+$0xFFFFFFF0]  }
0x220: {  	v7 =	vld [tilespmem:s20+$0x0]  }
0x221: {  	v8 =	vld [tilespmem:s20+$0x10]  }
0x222: {  	v9 =	vld [tilespmem:s20+$0x20]  }
0x223: {  	s31 =	simm.s32 $0x40C0;
	v10 =	vld [tilespmem:s20+$0xFFFFFFC0]  }
0x224: {  	v11 =	vld [tilespmem:s31+$0x30]  }
0x225: {  	v3 =	vmul.f32 $4.096000000e+03, v3  }
0x226: {  	v4 =	vmul.f32 $4.096000000e+03, v4;
	v5 =	vmul.f32 $4.096000000e+03, v5  }
0x227: {  	v6 =	vmul.f32 $4.096000000e+03, v6;
	v7 =	vmul.f32 $4.096000000e+03, v7  }
0x228: {  	v8 =	vmul.f32 $4.096000000e+03, v8;
	v9 =	vmul.f32 $4.096000000e+03, v9  }
0x229: {  	v10 =	vmul.f32 $4.096000000e+03, v10;
	v11 =	vmul.f32 $4.096000000e+03, v11  }
0x22a: {  	v3 =	vtrunc.f32 v3;
	v4 =	vtrunc.f32 v4  }
0x22b: {  	v5 =	vtrunc.f32 v5;
	v6 =	vtrunc.f32 v6  }
0x22c: {  	v7 =	vtrunc.f32 v7;
	v8 =	vtrunc.f32 v8  }
0x22d: {  	v9 =	vtrunc.f32 v9;
	v10 =	vtrunc.f32 v10  }
0x22e: {  	v3 =	vcvt.f32.s32 v3;
	v4 =	vcvt.f32.s32 v4  }
0x22f: {  	v5 =	vcvt.f32.s32 v5;
	v10 =	vcvt.f32.s32 v10  }
0x230: {  	v6 =	vcvt.f32.s32 v6;
	v7 =	vcvt.f32.s32 v7  }
0x231: {  	v8 =	vcvt.f32.s32 v8;
	v9 =	vcvt.f32.s32 v9  }
0x232: {  	v12 =	vld [tilespmem:s31+$0xFFFFFFD0];
	vm9 =	vlt.s32 v3, $0xFFF;
	vm10 =	vlt.s32 v4, $0xFFF;
	vm11 =	vlt.s32 v5, $0xFFF  }
0x233: {  	v13 =	vld [tilespmem:s31+$0xFFFFFFE0];
	vm12 =	vlt.s32 v10, $0xFFF;
	vm3 =	vlt.s32 v6, $0xFFF;
	vm13 =	vlt.s32 v7, $0xFFF  }
0x234: {  	vm4 =	vlt.s32 v8, $0xFFF;
	vm14 =	vlt.s32 v9, $0xFFF;
	v3 =	vnsel vm9, $0xFFF, v3  }
0x235: {  	v14 =	vld [tilespmem:s31+$0xFFFFFFF0];
	v10 =	vnsel vm12, $0xFFF, v10;
	v4 =	vnsel vm10, $0xFFF, v4;
	v5 =	vnsel vm11, $0xFFF, v5  }
0x236: {  	v15 =	vld [tilespmem:s31+$0x0];
	v6 =	vnsel vm3, $0xFFF, v6;
	v16 =	vnsel vm13, $0xFFF, v7;
	v18 =	vnsel vm4, $0xFFF, v8  }
0x237: {  	v17 =	vld [tilespmem:s31+$0x10];
	v19 =	vnsel vm14, $0xFFF, v9;
	v7 =	vmul.f32 $4.096000000e+03, v12;
	v3 =	vadd.s32 v1, v3  }
0x238: {  	v8 =	vtrunc.f32 v11;
	v11 =	vld [tilespmem:s31+$0xFFFFFFC0];
	v12 =	vmul.f32 $4.096000000e+03, v13;
	v10 =	vadd.s32 v1, v10  }
0x239: {  	v9 =	vld [tilespmem:s31+$0x20];
	v4 =	vadd.s32 v1, v4;
	v8 =	vcvt.f32.s32 v8;
	v5 =	vadd.s32 v1, v5  }
0x23a: {  	v13 =	vtrunc.f32 v7;
	v7 =	vmul.f32 $4.096000000e+03, v14;
	v14 =	vadd.s32 v1, v6  }
0x23b: {  	v12 =	vtrunc.f32 v12;
	v6 =	vmul.f32 $4.096000000e+03, v15;
	vm15 =	vlt.s32 v8, $0xFFF  }
0x23c: {  	v12 =	vcvt.f32.s32 v12;
	v7 =	vtrunc.f32 v7;
	v15 =	vnsel vm15, $0xFFF, v8;
	[tilespmem:v3+s15+$0x0] =	vst.idx.add.s32.msk $0xffff, v2  }
0x23d: {  	v8 =	vtrunc.f32 v6;
	v6 =	vadd.s32 v1, v15;
	v15 =	vmul.f32 $4.096000000e+03, v11;
	[tilespmem:v10+s15+$0x0] =	vst.idx.add.s32.msk $0xffff, v2  }
0x23e: {  	v3 =	vmul.f32 $4.096000000e+03, v17;
	v10 =	vmul.f32 $4.096000000e+03, v9;
	[tilespmem:v4+s15+$0x0] =	vst.idx.add.s32.msk $0xffff, v2;
	v4 =	vadd.s32 v1, v16  }
0x23f: {  	[tilespmem:v5+s15+$0x0] =	vst.idx.add.s32.msk $0xffff, v2;
	v9 =	vcvt.f32.s32 v13;
	v5 =	vadd.s32 v1, v18;
	v13 =	vtrunc.f32 v15  }
0x240: {  	s21 =	simm.s32 $0x4140;
	s20 =	simm.s32 $0x8;
	[tilespmem:v14+s15+$0x0] =	vst.idx.add.s32.msk $0xffff, v2;
	v11 =	vtrunc.f32 v3;
	v10 =	vtrunc.f32 v10;
	v3 =	vadd.s32 v1, v19  }
.LBB2_18:
0x241: {  	v14 =	vld [tilespmem:s21+$0x30];
	s20 =	sadd.s32 $0x8, s20;
	v13 =	vcvt.f32.s32 v13;
	vm0 =	vlt.s32 v9, $0xFFF;
	v7 =	vcvt.f32.s32 v7  }
0x242: {  	v8 =	vcvt.f32.s32 v8;
	v11 =	vcvt.f32.s32 v11;
	p0 =	slt.u32 s20, $0x3F8;
	vm1 =	vlt.s32 v12, $0xFFF;
	[tilespmem:v6+s15+$0x0] =	vst.idx.add.s32.msk $0xffff, v2  }
0x243: {  	v10 =	vcvt.f32.s32 v10;
	v6 =	vld [tilespmem:s21+$0xFFFFFFD0];
	vm2 =	vlt.s32 v13, $0xFFF;
	vm3 =	vlt.s32 v7, $0xFFF  }
0x244: {  	vm4 =	vlt.s32 v11, $0xFFF;
	v15 =	vld [tilespmem:s21+$0xFFFFFFE0];
	v13 =	vnsel vm2, $0xFFF, v13;
	vm2 =	vlt.s32 v8, $0xFFF  }
0x245: {  	v9 =	vnsel vm0, $0xFFF, v9;
	v12 =	vnsel vm1, $0xFFF, v12;
	vm0 =	vlt.s32 v10, $0xFFF;
	v16 =	vld [tilespmem:s21+$0xFFFFFFF0]  }
0x246: {  	v7 =	vnsel vm3, $0xFFF, v7;
	v18 =	vnsel vm2, $0xFFF, v8;
	v17 =	vld [tilespmem:s21+$0x0];
	v14 =	vmul.f32 $4.096000000e+03, v14  }
0x247: {  	v19 =	vnsel vm4, $0xFFF, v11;
	v20 =	vnsel vm0, $0xFFF, v10;
	v13 =	vadd.s32 v1, v13;
	v8 =	vld [tilespmem:s21+$0x10]  }
0x248: {  	v9 =	vadd.s32 v1, v9;
	v6 =	vmul.f32 $4.096000000e+03, v6;
	v10 =	vld [tilespmem:s21+$0x20];
	v11 =	vtrunc.f32 v14  }
0x249: {  	v12 =	vadd.s32 v1, v12;
	v14 =	vld [tilespmem:s21+$0xFFFFFFC0];
	v15 =	vmul.f32 $4.096000000e+03, v15;
	v11 =	vcvt.f32.s32 v11  }
0x24a: {  	v21 =	vtrunc.f32 v6;
	v6 =	vmul.f32 $4.096000000e+03, v16;
	v16 =	vadd.s32 v1, v7;
	[tilespmem:v4+s15+$0x0] =	vst.idx.add.s32.msk $0xffff, v2  }
0x24b: {  	v15 =	vtrunc.f32 v15;
	v4 =	vmul.f32 $4.096000000e+03, v17;
	vm0 =	vlt.s32 v11, $0xFFF;
	[tilespmem:v5+s15+$0x0] =	vst.idx.add.s32.msk $0xffff, v2  }
.Ltmp8:
0x24c: {  	v7 =	vtrunc.f32 v6;
	v5 =	vmul.f32 $4.096000000e+03, v8;
	v6 =	vnsel vm0, $0xFFF, v11;
	[tilespmem:v13+s15+$0x0] =	vst.idx.add.s32.msk $0xffff, v2;
	(pc) =	sbr.rel @p0 .LBB2_18-.Ltmp8, $4  }
0x24d: {  	v8 =	vtrunc.f32 v4;
	v10 =	vmul.f32 $4.096000000e+03, v10;
	v6 =	vadd.s32 v1, v6;
	[tilespmem:v9+s15+$0x0] =	vst.idx.add.s32.msk $0xffff, v2  }
0x24e: {  	v4 =	vadd.s32 v1, v18;
	v13 =	vmul.f32 $4.096000000e+03, v14;
	v11 =	vtrunc.f32 v5;
	[tilespmem:v12+s15+$0x0] =	vst.idx.add.s32.msk $0xffff, v2  }
0x24f: {  	v9 =	vcvt.f32.s32 v21;
	v5 =	vadd.s32 v1, v19;
	v10 =	vtrunc.f32 v10;
	[tilespmem:v16+s15+$0x0] =	vst.idx.add.s32.msk $0xffff, v2  }
0x250: {  	s21 =	sadd.s32 $0x80, s21;
	v12 =	vcvt.f32.s32 v15;
	v13 =	vtrunc.f32 v13;
	[tilespmem:v3+s15+$0x0] =	vst.idx.add.s32.msk $0xffff, v2;
	v3 =	vadd.s32 v1, v20  }
0x251: {  	v13 =	vcvt.f32.s32 v13;
	v7 =	vcvt.f32.s32 v7  }
0x252: {  	vm0 =	vlt.s32 v9, $0xFFF;
	v8 =	vcvt.f32.s32 v8;
	v11 =	vcvt.f32.s32 v11  }
0x253: {  	vm2 =	vlt.s32 v12, $0xFFF;
	v9 =	vnsel vm0, $0xFFF, v9;
	vm1 =	vlt.s32 v13, $0xFFF  }
0x254: {  	vm12 =	vlt.s32 v7, $0xFFF;
	v12 =	vnsel vm2, $0xFFF, v12;
	v9 =	vadd.s32 v1, v9  }
0x255: {  	[tilespmem:v6+s15+$0x0] =	vst.idx.add.s32.msk $0xffff, v2;
	v13 =	vnsel vm1, $0xFFF, v13;
	v6 =	vnsel vm12, $0xFFF, v7;
	v7 =	vadd.s32 v1, v12  }
0x256: {  	v10 =	vcvt.f32.s32 v10;
	[tilespmem:v4+s15+$0x0] =	vst.idx.add.s32.msk $0xffff, v2;
	vm13 =	vlt.s32 v8, $0xFFF;
	v13 =	vadd.s32 v1, v13  }
0x257: {  	[tilespmem:v5+s15+$0x0] =	vst.idx.add.s32.msk $0xffff, v2;
	vm14 =	vlt.s32 v11, $0xFFF;
	v4 =	vnsel vm13, $0xFFF, v8;
	v6 =	vadd.s32 v1, v6  }
0x258: {  	[tilespmem:v3+s15+$0x0] =	vst.idx.add.s32.msk $0xffff, v2;
	vm15 =	vlt.s32 v10, $0xFFF;
	v5 =	vnsel vm14, $0xFFF, v11;
	v4 =	vadd.s32 v1, v4  }
0x259: {  	v8 =	vnsel vm15, $0xFFF, v10;
	v5 =	vadd.s32 v1, v5;
	[tilespmem:v9+s15+$0x0] =	vst.idx.add.s32.msk $0xffff, v2  }
0x25a: {  	[tilespmem:v7+s15+$0x0] =	vst.idx.add.s32.msk $0xffff, v2;
	v7 =	vadd.s32 v1, v8  }
0x25b: {  	[tilespmem:v13+s15+$0x0] =	vst.idx.add.s32.msk $0xffff, v2  }
0x25c: {  	[tilespmem:v6+s15+$0x0] =	vst.idx.add.s32.msk $0xffff, v2  }
0x25d: {  	[tilespmem:v4+s15+$0x0] =	vst.idx.add.s32.msk $0xffff, v2  }
0x25e: {  	[tilespmem:v5+s15+$0x0] =	vst.idx.add.s32.msk $0xffff, v2  }
0x25f: {  	s20 =	simm.s32 $0x0;
	[tilespmem:v7+s15+$0x0] =	vst.idx.add.s32.msk $0xffff, v2  }
0x260: {  	v3 =	vld [tilespmem:s20+$0x8010]  }
0x261: {  	v4 =	vld [tilespmem:s20+$0x9021]  }
0x262: {  	v5 =	vld [tilespmem:s20+$0xA032]  }
0x263: {  	v6 =	vld [tilespmem:s20+$0xB043]  }
0x264: {  	v7 =	vld [tilespmem:s20+$0xC054]  }
0x265: {  	v8 =	vld [tilespmem:s20+$0xD065]  }
0x266: {  	v9 =	vld [tilespmem:s20+$0xE076]  }
0x267: {  	v10 =	vld [tilespmem:s20+$0xF087]  }
0x268: {  	v11 =	vld [tilespmem:s20+$0x10098]  }
0x269: {  	v63 =	vld [tilespmem:s20+$0x110A9]  }
0x26a: {  	v13 =	vld [tilespmem:s20+$0x120BA]  }
0x26b: {  	v14 =	vld [tilespmem:s20+$0x130CB]  }
0x26c: {  	v15 =	vld [tilespmem:s20+$0x140DC]  }
0x26d: {  	v16 =	vld [tilespmem:s20+$0x150ED]  }
0x26e: {  	v17 =	vld [tilespmem:s20+$0x160FE]  }
0x26f: {  	v18 =	vld [tilespmem:s20+$0x1710F];
	v3 =	vadd.s32 v3, v4  }
0x270: {  	v4 =	vld [tilespmem:s20+$0x8000];
	v3 =	vadd.s32 v5, v3  }
0x271: {  	v5 =	vld [tilespmem:s20+$0x9011];
	v3 =	vadd.s32 v6, v3  }
0x272: {  	v6 =	vld [tilespmem:s20+$0xA022];
	v3 =	vadd.s32 v7, v3  }
0x273: {  	v7 =	vld [tilespmem:s20+$0xB033];
	v3 =	vadd.s32 v8, v3  }
0x274: {  	v8 =	vld [tilespmem:s20+$0xC044];
	v3 =	vadd.s32 v9, v3  }
0x275: {  	v9 =	vld [tilespmem:s20+$0xD055];
	v3 =	vadd.s32 v10, v3  }
0x276: {  	v4 =	vadd.s32 v4, v5;
	v5 =	vld [tilespmem:s20+$0xE066];
	v3 =	vadd.s32 v11, v3  }
0x277: {  	v4 =	vadd.s32 v6, v4;
	v6 =	vld [tilespmem:s20+$0xF077];
	v3 =	vadd.s32 v63, v3  }
0x278: {  	v4 =	vadd.s32 v7, v4;
	v7 =	vld [tilespmem:s20+$0x10088];
	v3 =	vadd.s32 v13, v3  }
0x279: {  	p0 =	por $0x1, $0x1;
	v4 =	vadd.s32 v8, v4;
	v8 =	vld [tilespmem:s20+$0x11099];
	v3 =	vadd.s32 v14, v3  }
.Ltmp9:
0x27a: {  	v9 =	vadd.s32 v9, v4;
	v4 =	vld [tilespmem:s20+$0x120AA];
	v3 =	vadd.s32 v15, v3;
	(pc) =	sbr.rel @!p0 .LBB2_21-.Ltmp9, $4  }
0x27b: {  	v5 =	vadd.s32 v5, v9;
	v10 =	vadd.s32 v16, v3;
	v3 =	vld [tilespmem:s20+$0x130BB]  }
0x27c: {  	v6 =	vadd.s32 v6, v5;
	v5 =	vld [tilespmem:s20+$0x140CC];
	v9 =	vadd.s32 v17, v10  }
0x27d: {  	v7 =	vadd.s32 v7, v6;
	v6 =	vld [tilespmem:s20+$0x150DD];
	v9 =	vadd.s32 v18, v9  }
0x27e: {  	s21 =	simm.s32 $0x0;
	s22 =	simm.s32 $0x80;
	v8 =	vadd.s32 v8, v7;
	v7 =	vld [tilespmem:s20+$0x160EE];
	[tilespmem:s20+$0x18110] =	vst v9  }
.LBB2_20:
0x27f: {  	s23 =	sshra.s32 s22, $0x2;
	v4 =	vadd.s32 v4, v8;
	v8 =	vld [tilespmem:s20+$0x170FF]  }
0x280: {  	s21 =	sadd.s32 $0x2, s21;
	v9 =	vld [tilespmem:s23+$0x8010];
	v3 =	vadd.s32 v3, v4  }
0x281: {  	p0 =	slt.u32 s21, $0xFE;
	v4 =	vld [tilespmem:s23+$0x9021];
	v3 =	vadd.s32 v5, v3  }
0x282: {  	v5 =	vld [tilespmem:s23+$0xA032];
	v3 =	vadd.s32 v6, v3  }
0x283: {  	v6 =	vld [tilespmem:s23+$0xB043];
	v3 =	vadd.s32 v7, v3  }
0x284: {  	v7 =	vld [tilespmem:s23+$0xC054];
	v3 =	vadd.s32 v8, v3  }
0x285: {  	v8 =	vld [tilespmem:s23+$0xD065];
	[tilespmem:s20+$0x18100] =	vst v3;
	s20 =	smov.u32 s23  }
0x286: {  	v3 =	vadd.s32 v9, v4;
	v4 =	vld [tilespmem:s20+$0xE076]  }
0x287: {  	v3 =	vadd.s32 v5, v3;
	v5 =	vld [tilespmem:s20+$0xF087]  }
0x288: {  	v3 =	vadd.s32 v6, v3;
	v6 =	vld [tilespmem:s20+$0x10098]  }
0x289: {  	v3 =	vadd.s32 v7, v3;
	v7 =	vld [tilespmem:s20+$0x110A9]  }
0x28a: {  	v3 =	vadd.s32 v8, v3;
	v8 =	vld [tilespmem:s20+$0x120BA]  }
0x28b: {  	v3 =	vadd.s32 v4, v3;
	v4 =	vld [tilespmem:s20+$0x130CB]  }
0x28c: {  	v3 =	vadd.s32 v5, v3;
	v5 =	vld [tilespmem:s20+$0x140DC]  }
0x28d: {  	v3 =	vadd.s32 v6, v3;
	v6 =	vld [tilespmem:s20+$0x150ED]  }
0x28e: {  	v3 =	vadd.s32 v7, v3;
	v7 =	vld [tilespmem:s20+$0x160FE]  }
0x28f: {  	v3 =	vadd.s32 v8, v3;
	v8 =	vld [tilespmem:s20+$0x1710F]  }
0x290: {  	v9 =	vld [tilespmem:s20+$0x8000];
	v3 =	vadd.s32 v4, v3  }
0x291: {  	v4 =	vld [tilespmem:s20+$0x9011];
	v3 =	vadd.s32 v5, v3  }
0x292: {  	v5 =	vld [tilespmem:s20+$0xA022];
	v3 =	vadd.s32 v6, v3  }
0x293: {  	v6 =	vld [tilespmem:s20+$0xB033];
	v3 =	vadd.s32 v7, v3  }
0x294: {  	v7 =	vld [tilespmem:s20+$0xC044];
	v3 =	vadd.s32 v8, v3  }
0x295: {  	v8 =	vld [tilespmem:s20+$0xD055];
	[tilespmem:s20+$0x18110] =	vst v3  }
0x296: {  	v3 =	vadd.s32 v9, v4;
	v9 =	vld [tilespmem:s20+$0xE066]  }
0x297: {  	v3 =	vadd.s32 v5, v3;
	v5 =	vld [tilespmem:s20+$0xF077]  }
0x298: {  	v3 =	vadd.s32 v6, v3;
	v6 =	vld [tilespmem:s20+$0x10088]  }
0x299: {  	v3 =	vadd.s32 v7, v3;
	v7 =	vld [tilespmem:s20+$0x11099]  }
.Ltmp10:
0x29a: {  	v3 =	vadd.s32 v8, v3;
	v4 =	vld [tilespmem:s20+$0x120AA];
	(pc) =	sbr.rel @p0 .LBB2_20-.Ltmp10, $4  }
0x29b: {  	v8 =	vadd.s32 v9, v3;
	v3 =	vld [tilespmem:s20+$0x130BB]  }
0x29c: {  	v8 =	vadd.s32 v5, v8;
	v5 =	vld [tilespmem:s20+$0x140CC]  }
0x29d: {  	v8 =	vadd.s32 v6, v8;
	v6 =	vld [tilespmem:s20+$0x150DD]  }
0x29e: {  	s22 =	sadd.s32 $0x80, s22;
	v8 =	vadd.s32 v7, v8;
	v7 =	vld [tilespmem:s20+$0x160EE]  }
.LBB2_21:
0x29f: {  	v4 =	vadd.s32 v4, v8;
	v63 =	vld [tilespmem:s20+$0x170FF]  }
0x2a0: {  	v3 =	vadd.s32 v3, v4  }
0x2a1: {  	v3 =	vadd.s32 v5, v3  }
0x2a2: {  	v3 =	vadd.s32 v6, v3  }
0x2a3: {  	s19 =	sadd.s32 $0x1, s19;
	v3 =	vadd.s32 v7, v3  }
0x2a4: {  	p0 =	sne.s32 s19, s12;
	v3 =	vadd.s32 v63, v3  }
.Ltmp11:
0x2a5: {  	[tilespmem:s20+$0x18100] =	vst v3;
	(pc) =	sbr.rel @p0 .LBB2_1-.Ltmp11, $4  }
0x2a6: {  	[hbm4b:s11+s2] =	stream.linear.scatter [tilespmem:s17], [sflag:$0x3], $0x1000, $0x38;
	[tilespmem:$0x19100] =	vst v63  }
0x2a7: {  	_ =	swait.ge [sflag:s18], $0x1000  }
0x2a8: {  	[sflag:s18] =	ssyncset.done $0x0  }
0x2a9: {  	[sflag:s18] =	ssyncadd.s32 $0xFFFFF000  }
0x2aa: {  	_ =	sfence.sel $0x180000  }
0x2ab: {  	[bflag:$0x0] =	sbarrier.arrive $0xFFFF  }
0x2ac: {  	p0 =	sne.s32 s1, $0x0;
	_ =	strace $0x90000047  }
0x2ad: {  	s0 =	sadd.s32 @!p0 $0x100000, s0;
	[bflag:$0x2] =	sbarrier.arrive $0xFFFF  }
0x2ae: {  	[sflag:s0] =	ssyncadd.tile.s32 @!p0 $0x1;
	_ =	shalt  }
.Lfunc_end2:
_tile_overlayer_lowered:
.L_overlay_start_2:
0x2af: {  	(tag) =	ssettag $0x2  }
0x2b0: {  	s0 =	rddreg [dreg:$0x0];
	s2 =	stileid.u32  }
0x2b1: {  	s1 =	rddreg [dreg:$0x1];
	p0 =	sne.s32 s2, $0x0  }
0x2b2: {  	s3 =	rddreg [dreg:$0x2];
	[bflag:$0x3] =	sbarrier.arrive $0xFFFF;
	s2 =	simm.s32 @!p0 $0x1C03  }
0x2b3: {  	[timem:s3], [sflag:s2] =	dma.local @!p0 [hbm:s0], s1  }
0x2b4: {  	s0 =	simm.s32 @!p0 $0x3  }
0x2b5: {  	_ =	swait.ge @!p0 [sflag:s0], s1  }
0x2b6: {  	s1 =	ssub.s32 @!p0 $0x0, s1;
	[sflag:s0] =	ssyncset.done @!p0 $0x0  }
0x2b7: {  	[sflag:s0] =	ssyncadd.s32 @!p0 s1  }
0x2b8: {  	[bflag:$0x3] =	sbarrier.arrive $0xFFFF  }
0x2b9: {  	_ =	shalt  }

</sc_bundles>
